<compile_context>
chip_gen: v7x
topology: tpu7x:2x2x1
jax: 0.10.2.dev20260603
libtpu: 0.0.44.dev20260713+nightly
codegen_flags: <defaults>
</compile_context>

<pallas_src>
import functools

import jax
import jax.numpy as jnp
from jax import lax
from jax.experimental import pallas as pl
from jax.experimental.pallas import tpu as pltpu
from jax.experimental.pallas import tpu_sc as plsc

NUM_CLASSES = 1000000
EMBED_DIM = 32
BATCH = 16384
FIELDS = 26

_B = BATCH * FIELDS
_CW = 128
_NCHUNK = _B // _CW
_NW = 32
_CPW = _NCHUNK // _NW
_K = 4
_G = _CPW // _K
_GROWS = _K * _CW

_TCOLS = 32768
_TGRID = -(-NUM_CLASSES // _TCOLS)
_TROWS = _TGRID * _TCOLS


def _detile_body(in_ref, out_ref):
    x = in_ref[...]
    q = _TCOLS // 4
    parts = [jnp.transpose(x[:, u * q:(u + 1) * q]) for u in range(4)]
    out_ref[...] = jnp.concatenate(parts, axis=1)


def _detile(tt):
    return pl.pallas_call(
        _detile_body,
        grid=(_TGRID,),
        in_specs=[pl.BlockSpec((EMBED_DIM, _TCOLS), lambda j: (0, j))],
        out_specs=pl.BlockSpec((_TCOLS // 4, 128), lambda j: (j, 0)),
        out_shape=jax.ShapeDtypeStruct((_TROWS // 4, 128), jnp.float32),
    )(tt)


def _make_gather():
    mesh = plsc.VectorSubcoreMesh(core_axis_name="c", subcore_axis_name="s")

    @functools.partial(
        pl.kernel,
        mesh=mesh,
        compiler_params=pltpu.CompilerParams(use_tc_tiling_on_sc=False),
        out_type=jax.ShapeDtypeStruct((_B, EMBED_DIM), jnp.float32),
        scratch_types=[
            pltpu.VMEM((_CPW, _CW), jnp.int32),
            pltpu.VMEM((_GROWS, EMBED_DIM), jnp.float32),
            pltpu.VMEM((_GROWS, EMBED_DIM), jnp.float32),
            pltpu.SemaphoreType.DMA,
            pltpu.SemaphoreType.DMA,
        ],
    )
    def gather_kernel(idx_hbm, table_hbm, out_hbm, idx_v, buf0, buf1, sem0, sem1):
        nc = 2
        wid = lax.axis_index("s") * nc + lax.axis_index("c")
        base = wid * _CPW
        pltpu.sync_copy(idx_hbm.at[pl.ds(base, _CPW)], idx_v)

        bufs = (buf0, buf1)
        sems = (sem0, sem1)

        def fire(g, b):
            for t in range(_K):
                pltpu.async_copy(
                    table_hbm.at[idx_v.at[g * _K + t]],
                    bufs[b].at[pl.ds(t * _CW, _CW)],
                    sems[b],
                )

        def drain(b):
            pltpu.make_async_copy(
                table_hbm.at[pl.ds(0, _GROWS)], bufs[b], sems[b]
            ).wait()

        def writeback(g, b):
            pltpu.sync_copy(
                bufs[b], out_hbm.at[pl.ds((base + g * _K) * _CW, _GROWS)]
            )

        fire(0, 0)
        fire(1, 1)

        def outer(og, carry):
            for b in range(2):
                g = og * 2 + b
                drain(b)
                writeback(g, b)
                fire(g + 2, b)
            return carry

        lax.fori_loop(0, _G // 2 - 1, outer, 0)

        for b in range(2):
            drain(b)
            writeback(_G - 2 + b, b)

    return gather_kernel


_gather = _make_gather()


@jax.jit
def kernel(x, embed_map):
    xf = x.T.reshape(_NCHUNK, _CW).astype(jnp.int32)
    q = _TCOLS // 4
    xf = (
        (xf & ~(_TCOLS - 1))
        | ((xf & (q - 1)) << 2)
        | ((xf // q) & 3)
    )
    t_lin = _detile(embed_map.T).reshape(_TROWS, EMBED_DIM)
    out = _gather(xf, t_lin)
    return out.reshape(FIELDS, BATCH, EMBED_DIM).transpose(1, 0, 2)

# --- scband reference (transcript-rebuilt; emitter-appended) ---
"""Pipeline reference for scband-embedding-1675037245462 (READ-ONLY COPY).

The authoritative reference and input builder live on the scoring server;
editing this copy changes nothing except your own understanding.
"""

import jax, jax.numpy as jnp
import numpy as np

NUM_CLASSES = 1000000
EMBED_DIM = 32
BATCH = 16384
FIELDS = 26

def setup_inputs(seed: int = 0) -> dict:
    key = jax.random.key(seed)
    k1, k2 = jax.random.split(key)
    x = jax.random.randint(k1, (BATCH, FIELDS), 0, NUM_CLASSES, dtype=jnp.int64 if jax.config.jax_enable_x64 else jnp.int32)
    embed_map = jax.random.normal(k2, (NUM_CLASSES, EMBED_DIM), dtype=jnp.float32) * 0.02
    return {"x": x, "embed_map": embed_map}

def reference(x, embed_map):
    # tf.nn.embedding_lookup(embed_map, x) -> gather rows of embed_map by x
    return jnp.take(embed_map, x, axis=0)

if __name__ == "__main__":
    import jax
    _d = setup_inputs()
    print(jax.jit(kernel)(*tuple(_d.values())))

</pallas_src>

<mosaic_0001>
#map = affine_map<(d0, d1) -> (0, 0)>
module attributes {stable_mosaic.version = 14 : i64} {
  func.func @gather_kernel(%arg0: i32, %arg1: i32, %arg2: memref<3328x128xi32, #tpu.memory_space<hbm>>, %arg3: memref<1015808x32xf32, #tpu.memory_space<hbm>>, %arg4: memref<425984x32xf32, #tpu.memory_space<hbm>>, %arg5: memref<104x128xi32, #tpu.memory_space<vmem>>, %arg6: memref<512x32xf32, #tpu.memory_space<vmem>>, %arg7: memref<512x32xf32, #tpu.memory_space<vmem>>, %arg8: memref<!tpu.dma_semaphore, #tpu.memory_space<semaphore_mem>>, %arg9: memref<!tpu.dma_semaphore, #tpu.memory_space<semaphore_mem>>) attributes {dimension_semantics = [#tpu.dimension_semantics<core_parallel>, #tpu.dimension_semantics<subcore_parallel>], iteration_bounds = array<i64: 2, 16>, scalar_prefetch = 0 : i64, scratch_operands = 5 : i64, tpu.core_type = #tpu.core_type<sc_vector_subcore>, window_params = [{transform_indices = #map}, {transform_indices = #map}, {transform_indices = #map}]} {
    %mul3A = arith.constant 2 : i32
    %mul3A_0 = arith.muli %arg1, %mul3A : i32
    %add3A = arith.addi %mul3A_0, %arg0 : i32
    %mul3A_1 = arith.constant 104 : i32
    %mul3A_2 = arith.muli %add3A, %mul3A_1 : i32
    "tpu.region"() ({
      %run_scoped3A = tpu.sem_alloc : memref<!tpu.dma_semaphore, #tpu.memory_space<semaphore_mem>>
      %dma_start3A_106 = arith.constant 0 : i32
      %dma_start3A_107 = tpu.memref_slice %arg2[%mul3A_2, %dma_start3A_106] : memref<3328x128xi32, #tpu.memory_space<hbm>> -> memref<104x128xi32, #tpu.memory_space<hbm>>
      %dma_start3A_108 = arith.constant 0 : i32
      %dma_start3A_109 = tpu.memref_slice %arg2[%mul3A_2, %dma_start3A_108] : memref<3328x128xi32, #tpu.memory_space<hbm>> -> memref<104x128xi32, #tpu.memory_space<hbm>>
      tpu.enqueue_dma source(%dma_start3A_109 : memref<104x128xi32, #tpu.memory_space<hbm>>) target(%arg5 : memref<104x128xi32, #tpu.memory_space<vmem>>) target_semaphore(%run_scoped3A : memref<!tpu.dma_semaphore, #tpu.memory_space<semaphore_mem>>)
      %dma_wait3A_110 = arith.constant 0 : i32
      %dma_wait3A_111 = tpu.memref_slice %arg2[%mul3A_2, %dma_wait3A_110] : memref<3328x128xi32, #tpu.memory_space<hbm>> -> memref<104x128xi32, #tpu.memory_space<hbm>>
      %dma_wait3A_112 = arith.constant 0 : i32
      %dma_wait3A_113 = tpu.memref_slice %arg2[%mul3A_2, %dma_wait3A_112] : memref<3328x128xi32, #tpu.memory_space<hbm>> -> memref<104x128xi32, #tpu.memory_space<hbm>>
      tpu.wait_dma2 semaphore(%run_scoped3A : memref<!tpu.dma_semaphore, #tpu.memory_space<semaphore_mem>>) src(%dma_wait3A_113 : memref<104x128xi32, #tpu.memory_space<hbm>>) dst(%arg5 : memref<104x128xi32, #tpu.memory_space<vmem>>)
      tpu.yield
    }) : () -> ()
    %dma_start3A = arith.constant 0 : i32
    %dma_start3A_3 = arith.constant 0 : i32
    %dma_start3A_4 = arith.constant 0 : i32
    %dma_start3A_5 = tpu.memref_slice %arg6[%dma_start3A_3, %dma_start3A_4] : memref<512x32xf32, #tpu.memory_space<vmem>> -> memref<128x32xf32, #tpu.memory_space<vmem>>
    %dma_start3A_6 = arith.constant 0 : i32
    %dma_start3A_7 = tpu.memref_slice %arg5[%dma_start3A, %dma_start3A_6] : memref<104x128xi32, #tpu.memory_space<vmem>> -> memref<1x128xi32, #tpu.memory_space<vmem>>
    %dma_start3A_8 = tpu.memref_squeeze %dma_start3A_7 : memref<1x128xi32, #tpu.memory_space<vmem>> -> memref<128xi32, #tpu.memory_space<vmem>>
    %dma_start3A_9 = arith.constant 0 : i32
    %dma_start3A_10 = arith.constant 0 : i32
    %dma_start3A_11 = tpu.memref_slice %arg3[%dma_start3A_9, %dma_start3A_10] : memref<1015808x32xf32, #tpu.memory_space<hbm>> -> memref<1015808x32xf32, #tpu.memory_space<hbm>>
    tpu.enqueue_indirect_dma source(%dma_start3A_11 : memref<1015808x32xf32, #tpu.memory_space<hbm>>) target(%dma_start3A_5 : memref<128x32xf32, #tpu.memory_space<vmem>>) offsets(%dma_start3A_8 : memref<128xi32, #tpu.memory_space<vmem>>) semaphore(%arg8 : memref<!tpu.dma_semaphore, #tpu.memory_space<semaphore_mem>>)
    %dma_start3A_12 = arith.constant 1 : i32
    %dma_start3A_13 = arith.constant 128 : i32
    %dma_start3A_14 = arith.constant 0 : i32
    %dma_start3A_15 = tpu.memref_slice %arg6[%dma_start3A_13, %dma_start3A_14] : memref<512x32xf32, #tpu.memory_space<vmem>> -> memref<128x32xf32, #tpu.memory_space<vmem>>
    %dma_start3A_16 = arith.constant 0 : i32
    %dma_start3A_17 = tpu.memref_slice %arg5[%dma_start3A_12, %dma_start3A_16] : memref<104x128xi32, #tpu.memory_space<vmem>> -> memref<1x128xi32, #tpu.memory_space<vmem>>
    %dma_start3A_18 = tpu.memref_squeeze %dma_start3A_17 : memref<1x128xi32, #tpu.memory_space<vmem>> -> memref<128xi32, #tpu.memory_space<vmem>>
    %dma_start3A_19 = arith.constant 0 : i32
    %dma_start3A_20 = arith.constant 0 : i32
    %dma_start3A_21 = tpu.memref_slice %arg3[%dma_start3A_19, %dma_start3A_20] : memref<1015808x32xf32, #tpu.memory_space<hbm>> -> memref<1015808x32xf32, #tpu.memory_space<hbm>>
    tpu.enqueue_indirect_dma source(%dma_start3A_21 : memref<1015808x32xf32, #tpu.memory_space<hbm>>) target(%dma_start3A_15 : memref<128x32xf32, #tpu.memory_space<vmem>>) offsets(%dma_start3A_18 : memref<128xi32, #tpu.memory_space<vmem>>) semaphore(%arg8 : memref<!tpu.dma_semaphore, #tpu.memory_space<semaphore_mem>>)
    %dma_start3A_22 = arith.constant 2 : i32
    %dma_start3A_23 = arith.constant 256 : i32
    %dma_start3A_24 = arith.constant 0 : i32
    %dma_start3A_25 = tpu.memref_slice %arg6[%dma_start3A_23, %dma_start3A_24] : memref<512x32xf32, #tpu.memory_space<vmem>> -> memref<128x32xf32, #tpu.memory_space<vmem>>
    %dma_start3A_26 = arith.constant 0 : i32
    %dma_start3A_27 = tpu.memref_slice %arg5[%dma_start3A_22, %dma_start3A_26] : memref<104x128xi32, #tpu.memory_space<vmem>> -> memref<1x128xi32, #tpu.memory_space<vmem>>
    %dma_start3A_28 = tpu.memref_squeeze %dma_start3A_27 : memref<1x128xi32, #tpu.memory_space<vmem>> -> memref<128xi32, #tpu.memory_space<vmem>>
    %dma_start3A_29 = arith.constant 0 : i32
    %dma_start3A_30 = arith.constant 0 : i32
    %dma_start3A_31 = tpu.memref_slice %arg3[%dma_start3A_29, %dma_start3A_30] : memref<1015808x32xf32, #tpu.memory_space<hbm>> -> memref<1015808x32xf32, #tpu.memory_space<hbm>>
    tpu.enqueue_indirect_dma source(%dma_start3A_31 : memref<1015808x32xf32, #tpu.memory_space<hbm>>) target(%dma_start3A_25 : memref<128x32xf32, #tpu.memory_space<vmem>>) offsets(%dma_start3A_28 : memref<128xi32, #tpu.memory_space<vmem>>) semaphore(%arg8 : memref<!tpu.dma_semaphore, #tpu.memory_space<semaphore_mem>>)
    %dma_start3A_32 = arith.constant 3 : i32
    %dma_start3A_33 = arith.constant 384 : i32
    %dma_start3A_34 = arith.constant 0 : i32
    %dma_start3A_35 = tpu.memref_slice %arg6[%dma_start3A_33, %dma_start3A_34] : memref<512x32xf32, #tpu.memory_space<vmem>> -> memref<128x32xf32, #tpu.memory_space<vmem>>
    %dma_start3A_36 = arith.constant 0 : i32
    %dma_start3A_37 = tpu.memref_slice %arg5[%dma_start3A_32, %dma_start3A_36] : memref<104x128xi32, #tpu.memory_space<vmem>> -> memref<1x128xi32, #tpu.memory_space<vmem>>
    %dma_start3A_38 = tpu.memref_squeeze %dma_start3A_37 : memref<1x128xi32, #tpu.memory_space<vmem>> -> memref<128xi32, #tpu.memory_space<vmem>>
    %dma_start3A_39 = arith.constant 0 : i32
    %dma_start3A_40 = arith.constant 0 : i32
    %dma_start3A_41 = tpu.memref_slice %arg3[%dma_start3A_39, %dma_start3A_40] : memref<1015808x32xf32, #tpu.memory_space<hbm>> -> memref<1015808x32xf32, #tpu.memory_space<hbm>>
    tpu.enqueue_indirect_dma source(%dma_start3A_41 : memref<1015808x32xf32, #tpu.memory_space<hbm>>) target(%dma_start3A_35 : memref<128x32xf32, #tpu.memory_space<vmem>>) offsets(%dma_start3A_38 : memref<128xi32, #tpu.memory_space<vmem>>) semaphore(%arg8 : memref<!tpu.dma_semaphore, #tpu.memory_space<semaphore_mem>>)
    %dma_start3A_42 = arith.constant 4 : i32
    %dma_start3A_43 = arith.constant 0 : i32
    %dma_start3A_44 = arith.constant 0 : i32
    %dma_start3A_45 = tpu.memref_slice %arg7[%dma_start3A_43, %dma_start3A_44] : memref<512x32xf32, #tpu.memory_space<vmem>> -> memref<128x32xf32, #tpu.memory_space<vmem>>
    %dma_start3A_46 = arith.constant 0 : i32
    %dma_start3A_47 = tpu.memref_slice %arg5[%dma_start3A_42, %dma_start3A_46] : memref<104x128xi32, #tpu.memory_space<vmem>> -> memref<1x128xi32, #tpu.memory_space<vmem>>
    %dma_start3A_48 = tpu.memref_squeeze %dma_start3A_47 : memref<1x128xi32, #tpu.memory_space<vmem>> -> memref<128xi32, #tpu.memory_space<vmem>>
    %dma_start3A_49 = arith.constant 0 : i32
    %dma_start3A_50 = arith.constant 0 : i32
    %dma_start3A_51 = tpu.memref_slice %arg3[%dma_start3A_49, %dma_start3A_50] : memref<1015808x32xf32, #tpu.memory_space<hbm>> -> memref<1015808x32xf32, #tpu.memory_space<hbm>>
    tpu.enqueue_indirect_dma source(%dma_start3A_51 : memref<1015808x32xf32, #tpu.memory_space<hbm>>) target(%dma_start3A_45 : memref<128x32xf32, #tpu.memory_space<vmem>>) offsets(%dma_start3A_48 : memref<128xi32, #tpu.memory_space<vmem>>) semaphore(%arg9 : memref<!tpu.dma_semaphore, #tpu.memory_space<semaphore_mem>>)
    %dma_start3A_52 = arith.constant 5 : i32
    %dma_start3A_53 = arith.constant 128 : i32
    %dma_start3A_54 = arith.constant 0 : i32
    %dma_start3A_55 = tpu.memref_slice %arg7[%dma_start3A_53, %dma_start3A_54] : memref<512x32xf32, #tpu.memory_space<vmem>> -> memref<128x32xf32, #tpu.memory_space<vmem>>
    %dma_start3A_56 = arith.constant 0 : i32
    %dma_start3A_57 = tpu.memref_slice %arg5[%dma_start3A_52, %dma_start3A_56] : memref<104x128xi32, #tpu.memory_space<vmem>> -> memref<1x128xi32, #tpu.memory_space<vmem>>
    %dma_start3A_58 = tpu.memref_squeeze %dma_start3A_57 : memref<1x128xi32, #tpu.memory_space<vmem>> -> memref<128xi32, #tpu.memory_space<vmem>>
    %dma_start3A_59 = arith.constant 0 : i32
    %dma_start3A_60 = arith.constant 0 : i32
    %dma_start3A_61 = tpu.memref_slice %arg3[%dma_start3A_59, %dma_start3A_60] : memref<1015808x32xf32, #tpu.memory_space<hbm>> -> memref<1015808x32xf32, #tpu.memory_space<hbm>>
    tpu.enqueue_indirect_dma source(%dma_start3A_61 : memref<1015808x32xf32, #tpu.memory_space<hbm>>) target(%dma_start3A_55 : memref<128x32xf32, #tpu.memory_space<vmem>>) offsets(%dma_start3A_58 : memref<128xi32, #tpu.memory_space<vmem>>) semaphore(%arg9 : memref<!tpu.dma_semaphore, #tpu.memory_space<semaphore_mem>>)
    %dma_start3A_62 = arith.constant 6 : i32
    %dma_start3A_63 = arith.constant 256 : i32
    %dma_start3A_64 = arith.constant 0 : i32
    %dma_start3A_65 = tpu.memref_slice %arg7[%dma_start3A_63, %dma_start3A_64] : memref<512x32xf32, #tpu.memory_space<vmem>> -> memref<128x32xf32, #tpu.memory_space<vmem>>
    %dma_start3A_66 = arith.constant 0 : i32
    %dma_start3A_67 = tpu.memref_slice %arg5[%dma_start3A_62, %dma_start3A_66] : memref<104x128xi32, #tpu.memory_space<vmem>> -> memref<1x128xi32, #tpu.memory_space<vmem>>
    %dma_start3A_68 = tpu.memref_squeeze %dma_start3A_67 : memref<1x128xi32, #tpu.memory_space<vmem>> -> memref<128xi32, #tpu.memory_space<vmem>>
    %dma_start3A_69 = arith.constant 0 : i32
    %dma_start3A_70 = arith.constant 0 : i32
    %dma_start3A_71 = tpu.memref_slice %arg3[%dma_start3A_69, %dma_start3A_70] : memref<1015808x32xf32, #tpu.memory_space<hbm>> -> memref<1015808x32xf32, #tpu.memory_space<hbm>>
    tpu.enqueue_indirect_dma source(%dma_start3A_71 : memref<1015808x32xf32, #tpu.memory_space<hbm>>) target(%dma_start3A_65 : memref<128x32xf32, #tpu.memory_space<vmem>>) offsets(%dma_start3A_68 : memref<128xi32, #tpu.memory_space<vmem>>) semaphore(%arg9 : memref<!tpu.dma_semaphore, #tpu.memory_space<semaphore_mem>>)
    %dma_start3A_72 = arith.constant 7 : i32
    %dma_start3A_73 = arith.constant 384 : i32
    %dma_start3A_74 = arith.constant 0 : i32
    %dma_start3A_75 = tpu.memref_slice %arg7[%dma_start3A_73, %dma_start3A_74] : memref<512x32xf32, #tpu.memory_space<vmem>> -> memref<128x32xf32, #tpu.memory_space<vmem>>
    %dma_start3A_76 = arith.constant 0 : i32
    %dma_start3A_77 = tpu.memref_slice %arg5[%dma_start3A_72, %dma_start3A_76] : memref<104x128xi32, #tpu.memory_space<vmem>> -> memref<1x128xi32, #tpu.memory_space<vmem>>
    %dma_start3A_78 = tpu.memref_squeeze %dma_start3A_77 : memref<1x128xi32, #tpu.memory_space<vmem>> -> memref<128xi32, #tpu.memory_space<vmem>>
    %dma_start3A_79 = arith.constant 0 : i32
    %dma_start3A_80 = arith.constant 0 : i32
    %dma_start3A_81 = tpu.memref_slice %arg3[%dma_start3A_79, %dma_start3A_80] : memref<1015808x32xf32, #tpu.memory_space<hbm>> -> memref<1015808x32xf32, #tpu.memory_space<hbm>>
    tpu.enqueue_indirect_dma source(%dma_start3A_81 : memref<1015808x32xf32, #tpu.memory_space<hbm>>) target(%dma_start3A_75 : memref<128x32xf32, #tpu.memory_space<vmem>>) offsets(%dma_start3A_78 : memref<128xi32, #tpu.memory_space<vmem>>) semaphore(%arg9 : memref<!tpu.dma_semaphore, #tpu.memory_space<semaphore_mem>>)
    %scan3A = arith.constant 0 : i32
    %scan3A_82 = arith.constant 0 : i32
    %scan3A_83 = arith.constant 12 : i32
    %scan3A_84 = arith.addi %scan3A_82, %scan3A_83 : i32
    %scan3A_85 = arith.constant 1 : i32
    scf.for %scan3A_106 = %scan3A_82 to %scan3A_84 step %scan3A_85  : i32 {
      %mul3A_107 = arith.constant 2 : i32
      %mul3A_108 = arith.muli %scan3A_106, %mul3A_107 : i32
      %add3A_109 = arith.constant 0 : i32
      %add3A_110 = arith.addi %mul3A_108, %add3A_109 : i32
      %dma_wait3A_111 = arith.constant 0 : i32
      %dma_wait3A_112 = arith.constant 0 : i32
      %dma_wait3A_113 = tpu.memref_slice %arg3[%dma_wait3A_111, %dma_wait3A_112] : memref<1015808x32xf32, #tpu.memory_space<hbm>> -> memref<512x32xf32, #tpu.memory_space<hbm>>
      %dma_wait3A_114 = arith.constant 0 : i32
      %dma_wait3A_115 = arith.constant 0 : i32
      %dma_wait3A_116 = tpu.memref_slice %arg3[%dma_wait3A_114, %dma_wait3A_115] : memref<1015808x32xf32, #tpu.memory_space<hbm>> -> memref<512x32xf32, #tpu.memory_space<hbm>>
      tpu.wait_dma2 semaphore(%arg8 : memref<!tpu.dma_semaphore, #tpu.memory_space<semaphore_mem>>) src(%dma_wait3A_116 : memref<512x32xf32, #tpu.memory_space<hbm>>) dst(%arg6 : memref<512x32xf32, #tpu.memory_space<vmem>>)
      %mul3A_117 = arith.constant 4 : i32
      %mul3A_118 = arith.muli %add3A_110, %mul3A_117 : i32
      %add3A_119 = arith.addi %mul3A_2, %mul3A_118 : i32
      %mul3A_120 = arith.constant 128 : i32
      %mul3A_121 = arith.muli %add3A_119, %mul3A_120 : i32
      "tpu.region"() ({
        %run_scoped3A = tpu.sem_alloc : memref<!tpu.dma_semaphore, #tpu.memory_space<semaphore_mem>>
        %dma_start3A_245 = arith.constant 0 : i32
        %dma_start3A_246 = tpu.memref_slice %arg4[%mul3A_121, %dma_start3A_245] : memref<425984x32xf32, #tpu.memory_space<hbm>> -> memref<512x32xf32, #tpu.memory_space<hbm>>
        %dma_start3A_247 = arith.constant 0 : i32
        %dma_start3A_248 = tpu.memref_slice %arg4[%mul3A_121, %dma_start3A_247] : memref<425984x32xf32, #tpu.memory_space<hbm>> -> memref<512x32xf32, #tpu.memory_space<hbm>>
        tpu.enqueue_dma source(%arg6 : memref<512x32xf32, #tpu.memory_space<vmem>>) target(%dma_start3A_248 : memref<512x32xf32, #tpu.memory_space<hbm>>) target_semaphore(%run_scoped3A : memref<!tpu.dma_semaphore, #tpu.memory_space<semaphore_mem>>)
        %dma_wait3A_249 = arith.constant 0 : i32
        %dma_wait3A_250 = tpu.memref_slice %arg4[%mul3A_121, %dma_wait3A_249] : memref<425984x32xf32, #tpu.memory_space<hbm>> -> memref<512x32xf32, #tpu.memory_space<hbm>>
        %dma_wait3A_251 = arith.constant 0 : i32
        %dma_wait3A_252 = tpu.memref_slice %arg4[%mul3A_121, %dma_wait3A_251] : memref<425984x32xf32, #tpu.memory_space<hbm>> -> memref<512x32xf32, #tpu.memory_space<hbm>>
        tpu.wait_dma2 semaphore(%run_scoped3A : memref<!tpu.dma_semaphore, #tpu.memory_space<semaphore_mem>>) src(%arg6 : memref<512x32xf32, #tpu.memory_space<vmem>>) dst(%dma_wait3A_252 : memref<512x32xf32, #tpu.memory_space<hbm>>)
        tpu.yield
      }) : () -> ()
      %add3A_122 = arith.constant 2 : i32
      %add3A_123 = arith.addi %add3A_110, %add3A_122 : i32
      %mul3A_124 = arith.constant 4 : i32
      %mul3A_125 = arith.muli %add3A_123, %mul3A_124 : i32
      %add3A_126 = arith.constant 0 : i32
      %add3A_127 = arith.addi %mul3A_125, %add3A_126 : i32
      %dma_start3A_128 = arith.constant 0 : i32
      %dma_start3A_129 = arith.constant 0 : i32
      %dma_start3A_130 = tpu.memref_slice %arg6[%dma_start3A_128, %dma_start3A_129] : memref<512x32xf32, #tpu.memory_space<vmem>> -> memref<128x32xf32, #tpu.memory_space<vmem>>
      %dma_start3A_131 = arith.constant 0 : i32
      %dma_start3A_132 = tpu.memref_slice %arg5[%add3A_127, %dma_start3A_131] : memref<104x128xi32, #tpu.memory_space<vmem>> -> memref<1x128xi32, #tpu.memory_space<vmem>>
      %dma_start3A_133 = tpu.memref_squeeze %dma_start3A_132 : memref<1x128xi32, #tpu.memory_space<vmem>> -> memref<128xi32, #tpu.memory_space<vmem>>
      %dma_start3A_134 = arith.constant 0 : i32
      %dma_start3A_135 = arith.constant 0 : i32
      %dma_start3A_136 = tpu.memref_slice %arg3[%dma_start3A_134, %dma_start3A_135] : memref<1015808x32xf32, #tpu.memory_space<hbm>> -> memref<1015808x32xf32, #tpu.memory_space<hbm>>
      tpu.enqueue_indirect_dma source(%dma_start3A_136 : memref<1015808x32xf32, #tpu.memory_space<hbm>>) target(%dma_start3A_130 : memref<128x32xf32, #tpu.memory_space<vmem>>) offsets(%dma_start3A_133 : memref<128xi32, #tpu.memory_space<vmem>>) semaphore(%arg8 : memref<!tpu.dma_semaphore, #tpu.memory_space<semaphore_mem>>)
      %mul3A_137 = arith.constant 4 : i32
      %mul3A_138 = arith.muli %add3A_123, %mul3A_137 : i32
      %add3A_139 = arith.constant 1 : i32
      %add3A_140 = arith.addi %mul3A_138, %add3A_139 : i32
      %dma_start3A_141 = arith.constant 128 : i32
      %dma_start3A_142 = arith.constant 0 : i32
      %dma_start3A_143 = tpu.memref_slice %arg6[%dma_start3A_141, %dma_start3A_142] : memref<512x32xf32, #tpu.memory_space<vmem>> -> memref<128x32xf32, #tpu.memory_space<vmem>>
      %dma_start3A_144 = arith.constant 0 : i32
      %dma_start3A_145 = tpu.memref_slice %arg5[%add3A_140, %dma_start3A_144] : memref<104x128xi32, #tpu.memory_space<vmem>> -> memref<1x128xi32, #tpu.memory_space<vmem>>
      %dma_start3A_146 = tpu.memref_squeeze %dma_start3A_145 : memref<1x128xi32, #tpu.memory_space<vmem>> -> memref<128xi32, #tpu.memory_space<vmem>>
      %dma_start3A_147 = arith.constant 0 : i32
      %dma_start3A_148 = arith.constant 0 : i32
      %dma_start3A_149 = tpu.memref_slice %arg3[%dma_start3A_147, %dma_start3A_148] : memref<1015808x32xf32, #tpu.memory_space<hbm>> -> memref<1015808x32xf32, #tpu.memory_space<hbm>>
      tpu.enqueue_indirect_dma source(%dma_start3A_149 : memref<1015808x32xf32, #tpu.memory_space<hbm>>) target(%dma_start3A_143 : memref<128x32xf32, #tpu.memory_space<vmem>>) offsets(%dma_start3A_146 : memref<128xi32, #tpu.memory_space<vmem>>) semaphore(%arg8 : memref<!tpu.dma_semaphore, #tpu.memory_space<semaphore_mem>>)
      %mul3A_150 = arith.constant 4 : i32
      %mul3A_151 = arith.muli %add3A_123, %mul3A_150 : i32
      %add3A_152 = arith.constant 2 : i32
      %add3A_153 = arith.addi %mul3A_151, %add3A_152 : i32
      %dma_start3A_154 = arith.constant 256 : i32
      %dma_start3A_155 = arith.constant 0 : i32
      %dma_start3A_156 = tpu.memref_slice %arg6[%dma_start3A_154, %dma_start3A_155] : memref<512x32xf32, #tpu.memory_space<vmem>> -> memref<128x32xf32, #tpu.memory_space<vmem>>
      %dma_start3A_157 = arith.constant 0 : i32
      %dma_start3A_158 = tpu.memref_slice %arg5[%add3A_153, %dma_start3A_157] : memref<104x128xi32, #tpu.memory_space<vmem>> -> memref<1x128xi32, #tpu.memory_space<vmem>>
      %dma_start3A_159 = tpu.memref_squeeze %dma_start3A_158 : memref<1x128xi32, #tpu.memory_space<vmem>> -> memref<128xi32, #tpu.memory_space<vmem>>
      %dma_start3A_160 = arith.constant 0 : i32
      %dma_start3A_161 = arith.constant 0 : i32
      %dma_start3A_162 = tpu.memref_slice %arg3[%dma_start3A_160, %dma_start3A_161] : memref<1015808x32xf32, #tpu.memory_space<hbm>> -> memref<1015808x32xf32, #tpu.memory_space<hbm>>
      tpu.enqueue_indirect_dma source(%dma_start3A_162 : memref<1015808x32xf32, #tpu.memory_space<hbm>>) target(%dma_start3A_156 : memref<128x32xf32, #tpu.memory_space<vmem>>) offsets(%dma_start3A_159 : memref<128xi32, #tpu.memory_space<vmem>>) semaphore(%arg8 : memref<!tpu.dma_semaphore, #tpu.memory_space<semaphore_mem>>)
      %mul3A_163 = arith.constant 4 : i32
      %mul3A_164 = arith.muli %add3A_123, %mul3A_163 : i32
      %add3A_165 = arith.constant 3 : i32
      %add3A_166 = arith.addi %mul3A_164, %add3A_165 : i32
      %dma_start3A_167 = arith.constant 384 : i32
      %dma_start3A_168 = arith.constant 0 : i32
      %dma_start3A_169 = tpu.memref_slice %arg6[%dma_start3A_167, %dma_start3A_168] : memref<512x32xf32, #tpu.memory_space<vmem>> -> memref<128x32xf32, #tpu.memory_space<vmem>>
      %dma_start3A_170 = arith.constant 0 : i32
      %dma_start3A_171 = tpu.memref_slice %arg5[%add3A_166, %dma_start3A_170] : memref<104x128xi32, #tpu.memory_space<vmem>> -> memref<1x128xi32, #tpu.memory_space<vmem>>
      %dma_start3A_172 = tpu.memref_squeeze %dma_start3A_171 : memref<1x128xi32, #tpu.memory_space<vmem>> -> memref<128xi32, #tpu.memory_space<vmem>>
      %dma_start3A_173 = arith.constant 0 : i32
      %dma_start3A_174 = arith.constant 0 : i32
      %dma_start3A_175 = tpu.memref_slice %arg3[%dma_start3A_173, %dma_start3A_174] : memref<1015808x32xf32, #tpu.memory_space<hbm>> -> memref<1015808x32xf32, #tpu.memory_space<hbm>>
      tpu.enqueue_indirect_dma source(%dma_start3A_175 : memref<1015808x32xf32, #tpu.memory_space<hbm>>) target(%dma_start3A_169 : memref<128x32xf32, #tpu.memory_space<vmem>>) offsets(%dma_start3A_172 : memref<128xi32, #tpu.memory_space<vmem>>) semaphore(%arg8 : memref<!tpu.dma_semaphore, #tpu.memory_space<semaphore_mem>>)
      %mul3A_176 = arith.constant 2 : i32
      %mul3A_177 = arith.muli %scan3A_106, %mul3A_176 : i32
      %add3A_178 = arith.constant 1 : i32
      %add3A_179 = arith.addi %mul3A_177, %add3A_178 : i32
      %dma_wait3A_180 = arith.constant 0 : i32
      %dma_wait3A_181 = arith.constant 0 : i32
      %dma_wait3A_182 = tpu.memref_slice %arg3[%dma_wait3A_180, %dma_wait3A_181] : memref<1015808x32xf32, #tpu.memory_space<hbm>> -> memref<512x32xf32, #tpu.memory_space<hbm>>
      %dma_wait3A_183 = arith.constant 0 : i32
      %dma_wait3A_184 = arith.constant 0 : i32
      %dma_wait3A_185 = tpu.memref_slice %arg3[%dma_wait3A_183, %dma_wait3A_184] : memref<1015808x32xf32, #tpu.memory_space<hbm>> -> memref<512x32xf32, #tpu.memory_space<hbm>>
      tpu.wait_dma2 semaphore(%arg9 : memref<!tpu.dma_semaphore, #tpu.memory_space<semaphore_mem>>) src(%dma_wait3A_185 : memref<512x32xf32, #tpu.memory_space<hbm>>) dst(%arg7 : memref<512x32xf32, #tpu.memory_space<vmem>>)
      %mul3A_186 = arith.constant 4 : i32
      %mul3A_187 = arith.muli %add3A_179, %mul3A_186 : i32
      %add3A_188 = arith.addi %mul3A_2, %mul3A_187 : i32
      %mul3A_189 = arith.constant 128 : i32
      %mul3A_190 = arith.muli %add3A_188, %mul3A_189 : i32
      "tpu.region"() ({
        %run_scoped3A = tpu.sem_alloc : memref<!tpu.dma_semaphore, #tpu.memory_space<semaphore_mem>>
        %dma_start3A_245 = arith.constant 0 : i32
        %dma_start3A_246 = tpu.memref_slice %arg4[%mul3A_190, %dma_start3A_245] : memref<425984x32xf32, #tpu.memory_space<hbm>> -> memref<512x32xf32, #tpu.memory_space<hbm>>
        %dma_start3A_247 = arith.constant 0 : i32
        %dma_start3A_248 = tpu.memref_slice %arg4[%mul3A_190, %dma_start3A_247] : memref<425984x32xf32, #tpu.memory_space<hbm>> -> memref<512x32xf32, #tpu.memory_space<hbm>>
        tpu.enqueue_dma source(%arg7 : memref<512x32xf32, #tpu.memory_space<vmem>>) target(%dma_start3A_248 : memref<512x32xf32, #tpu.memory_space<hbm>>) target_semaphore(%run_scoped3A : memref<!tpu.dma_semaphore, #tpu.memory_space<semaphore_mem>>)
        %dma_wait3A_249 = arith.constant 0 : i32
        %dma_wait3A_250 = tpu.memref_slice %arg4[%mul3A_190, %dma_wait3A_249] : memref<425984x32xf32, #tpu.memory_space<hbm>> -> memref<512x32xf32, #tpu.memory_space<hbm>>
        %dma_wait3A_251 = arith.constant 0 : i32
        %dma_wait3A_252 = tpu.memref_slice %arg4[%mul3A_190, %dma_wait3A_251] : memref<425984x32xf32, #tpu.memory_space<hbm>> -> memref<512x32xf32, #tpu.memory_space<hbm>>
        tpu.wait_dma2 semaphore(%run_scoped3A : memref<!tpu.dma_semaphore, #tpu.memory_space<semaphore_mem>>) src(%arg7 : memref<512x32xf32, #tpu.memory_space<vmem>>) dst(%dma_wait3A_252 : memref<512x32xf32, #tpu.memory_space<hbm>>)
        tpu.yield
      }) : () -> ()
      %add3A_191 = arith.constant 2 : i32
      %add3A_192 = arith.addi %add3A_179, %add3A_191 : i32
      %mul3A_193 = arith.constant 4 : i32
      %mul3A_194 = arith.muli %add3A_192, %mul3A_193 : i32
      %add3A_195 = arith.constant 0 : i32
      %add3A_196 = arith.addi %mul3A_194, %add3A_195 : i32
      %dma_start3A_197 = arith.constant 0 : i32
      %dma_start3A_198 = arith.constant 0 : i32
      %dma_start3A_199 = tpu.memref_slice %arg7[%dma_start3A_197, %dma_start3A_198] : memref<512x32xf32, #tpu.memory_space<vmem>> -> memref<128x32xf32, #tpu.memory_space<vmem>>
      %dma_start3A_200 = arith.constant 0 : i32
      %dma_start3A_201 = tpu.memref_slice %arg5[%add3A_196, %dma_start3A_200] : memref<104x128xi32, #tpu.memory_space<vmem>> -> memref<1x128xi32, #tpu.memory_space<vmem>>
      %dma_start3A_202 = tpu.memref_squeeze %dma_start3A_201 : memref<1x128xi32, #tpu.memory_space<vmem>> -> memref<128xi32, #tpu.memory_space<vmem>>
      %dma_start3A_203 = arith.constant 0 : i32
      %dma_start3A_204 = arith.constant 0 : i32
      %dma_start3A_205 = tpu.memref_slice %arg3[%dma_start3A_203, %dma_start3A_204] : memref<1015808x32xf32, #tpu.memory_space<hbm>> -> memref<1015808x32xf32, #tpu.memory_space<hbm>>
      tpu.enqueue_indirect_dma source(%dma_start3A_205 : memref<1015808x32xf32, #tpu.memory_space<hbm>>) target(%dma_start3A_199 : memref<128x32xf32, #tpu.memory_space<vmem>>) offsets(%dma_start3A_202 : memref<128xi32, #tpu.memory_space<vmem>>) semaphore(%arg9 : memref<!tpu.dma_semaphore, #tpu.memory_space<semaphore_mem>>)
      %mul3A_206 = arith.constant 4 : i32
      %mul3A_207 = arith.muli %add3A_192, %mul3A_206 : i32
      %add3A_208 = arith.constant 1 : i32
      %add3A_209 = arith.addi %mul3A_207, %add3A_208 : i32
      %dma_start3A_210 = arith.constant 128 : i32
      %dma_start3A_211 = arith.constant 0 : i32
      %dma_start3A_212 = tpu.memref_slice %arg7[%dma_start3A_210, %dma_start3A_211] : memref<512x32xf32, #tpu.memory_space<vmem>> -> memref<128x32xf32, #tpu.memory_space<vmem>>
      %dma_start3A_213 = arith.constant 0 : i32
      %dma_start3A_214 = tpu.memref_slice %arg5[%add3A_209, %dma_start3A_213] : memref<104x128xi32, #tpu.memory_space<vmem>> -> memref<1x128xi32, #tpu.memory_space<vmem>>
      %dma_start3A_215 = tpu.memref_squeeze %dma_start3A_214 : memref<1x128xi32, #tpu.memory_space<vmem>> -> memref<128xi32, #tpu.memory_space<vmem>>
      %dma_start3A_216 = arith.constant 0 : i32
      %dma_start3A_217 = arith.constant 0 : i32
      %dma_start3A_218 = tpu.memref_slice %arg3[%dma_start3A_216, %dma_start3A_217] : memref<1015808x32xf32, #tpu.memory_space<hbm>> -> memref<1015808x32xf32, #tpu.memory_space<hbm>>
      tpu.enqueue_indirect_dma source(%dma_start3A_218 : memref<1015808x32xf32, #tpu.memory_space<hbm>>) target(%dma_start3A_212 : memref<128x32xf32, #tpu.memory_space<vmem>>) offsets(%dma_start3A_215 : memref<128xi32, #tpu.memory_space<vmem>>) semaphore(%arg9 : memref<!tpu.dma_semaphore, #tpu.memory_space<semaphore_mem>>)
      %mul3A_219 = arith.constant 4 : i32
      %mul3A_220 = arith.muli %add3A_192, %mul3A_219 : i32
      %add3A_221 = arith.constant 2 : i32
      %add3A_222 = arith.addi %mul3A_220, %add3A_221 : i32
      %dma_start3A_223 = arith.constant 256 : i32
      %dma_start3A_224 = arith.constant 0 : i32
      %dma_start3A_225 = tpu.memref_slice %arg7[%dma_start3A_223, %dma_start3A_224] : memref<512x32xf32, #tpu.memory_space<vmem>> -> memref<128x32xf32, #tpu.memory_space<vmem>>
      %dma_start3A_226 = arith.constant 0 : i32
      %dma_start3A_227 = tpu.memref_slice %arg5[%add3A_222, %dma_start3A_226] : memref<104x128xi32, #tpu.memory_space<vmem>> -> memref<1x128xi32, #tpu.memory_space<vmem>>
      %dma_start3A_228 = tpu.memref_squeeze %dma_start3A_227 : memref<1x128xi32, #tpu.memory_space<vmem>> -> memref<128xi32, #tpu.memory_space<vmem>>
      %dma_start3A_229 = arith.constant 0 : i32
      %dma_start3A_230 = arith.constant 0 : i32
      %dma_start3A_231 = tpu.memref_slice %arg3[%dma_start3A_229, %dma_start3A_230] : memref<1015808x32xf32, #tpu.memory_space<hbm>> -> memref<1015808x32xf32, #tpu.memory_space<hbm>>
      tpu.enqueue_indirect_dma source(%dma_start3A_231 : memref<1015808x32xf32, #tpu.memory_space<hbm>>) target(%dma_start3A_225 : memref<128x32xf32, #tpu.memory_space<vmem>>) offsets(%dma_start3A_228 : memref<128xi32, #tpu.memory_space<vmem>>) semaphore(%arg9 : memref<!tpu.dma_semaphore, #tpu.memory_space<semaphore_mem>>)
      %mul3A_232 = arith.constant 4 : i32
      %mul3A_233 = arith.muli %add3A_192, %mul3A_232 : i32
      %add3A_234 = arith.constant 3 : i32
      %add3A_235 = arith.addi %mul3A_233, %add3A_234 : i32
      %dma_start3A_236 = arith.constant 384 : i32
      %dma_start3A_237 = arith.constant 0 : i32
      %dma_start3A_238 = tpu.memref_slice %arg7[%dma_start3A_236, %dma_start3A_237] : memref<512x32xf32, #tpu.memory_space<vmem>> -> memref<128x32xf32, #tpu.memory_space<vmem>>
      %dma_start3A_239 = arith.constant 0 : i32
      %dma_start3A_240 = tpu.memref_slice %arg5[%add3A_235, %dma_start3A_239] : memref<104x128xi32, #tpu.memory_space<vmem>> -> memref<1x128xi32, #tpu.memory_space<vmem>>
      %dma_start3A_241 = tpu.memref_squeeze %dma_start3A_240 : memref<1x128xi32, #tpu.memory_space<vmem>> -> memref<128xi32, #tpu.memory_space<vmem>>
      %dma_start3A_242 = arith.constant 0 : i32
      %dma_start3A_243 = arith.constant 0 : i32
      %dma_start3A_244 = tpu.memref_slice %arg3[%dma_start3A_242, %dma_start3A_243] : memref<1015808x32xf32, #tpu.memory_space<hbm>> -> memref<1015808x32xf32, #tpu.memory_space<hbm>>
      tpu.enqueue_indirect_dma source(%dma_start3A_244 : memref<1015808x32xf32, #tpu.memory_space<hbm>>) target(%dma_start3A_238 : memref<128x32xf32, #tpu.memory_space<vmem>>) offsets(%dma_start3A_241 : memref<128xi32, #tpu.memory_space<vmem>>) semaphore(%arg9 : memref<!tpu.dma_semaphore, #tpu.memory_space<semaphore_mem>>)
    }
    %scan3A_86 = arith.constant 12 : i32
    %dma_wait3A = arith.constant 0 : i32
    %dma_wait3A_87 = arith.constant 0 : i32
    %dma_wait3A_88 = tpu.memref_slice %arg3[%dma_wait3A, %dma_wait3A_87] : memref<1015808x32xf32, #tpu.memory_space<hbm>> -> memref<512x32xf32, #tpu.memory_space<hbm>>
    %dma_wait3A_89 = arith.constant 0 : i32
    %dma_wait3A_90 = arith.constant 0 : i32
    %dma_wait3A_91 = tpu.memref_slice %arg3[%dma_wait3A_89, %dma_wait3A_90] : memref<1015808x32xf32, #tpu.memory_space<hbm>> -> memref<512x32xf32, #tpu.memory_space<hbm>>
    tpu.wait_dma2 semaphore(%arg8 : memref<!tpu.dma_semaphore, #tpu.memory_space<semaphore_mem>>) src(%dma_wait3A_91 : memref<512x32xf32, #tpu.memory_space<hbm>>) dst(%arg6 : memref<512x32xf32, #tpu.memory_space<vmem>>)
    %add3A_92 = arith.constant 96 : i32
    %add3A_93 = arith.addi %mul3A_2, %add3A_92 : i32
    %mul3A_94 = arith.constant 128 : i32
    %mul3A_95 = arith.muli %add3A_93, %mul3A_94 : i32
    "tpu.region"() ({
      %run_scoped3A = tpu.sem_alloc : memref<!tpu.dma_semaphore, #tpu.memory_space<semaphore_mem>>
      %dma_start3A_106 = arith.constant 0 : i32
      %dma_start3A_107 = tpu.memref_slice %arg4[%mul3A_95, %dma_start3A_106] : memref<425984x32xf32, #tpu.memory_space<hbm>> -> memref<512x32xf32, #tpu.memory_space<hbm>>
      %dma_start3A_108 = arith.constant 0 : i32
      %dma_start3A_109 = tpu.memref_slice %arg4[%mul3A_95, %dma_start3A_108] : memref<425984x32xf32, #tpu.memory_space<hbm>> -> memref<512x32xf32, #tpu.memory_space<hbm>>
      tpu.enqueue_dma source(%arg6 : memref<512x32xf32, #tpu.memory_space<vmem>>) target(%dma_start3A_109 : memref<512x32xf32, #tpu.memory_space<hbm>>) target_semaphore(%run_scoped3A : memref<!tpu.dma_semaphore, #tpu.memory_space<semaphore_mem>>)
      %dma_wait3A_110 = arith.constant 0 : i32
      %dma_wait3A_111 = tpu.memref_slice %arg4[%mul3A_95, %dma_wait3A_110] : memref<425984x32xf32, #tpu.memory_space<hbm>> -> memref<512x32xf32, #tpu.memory_space<hbm>>
      %dma_wait3A_112 = arith.constant 0 : i32
      %dma_wait3A_113 = tpu.memref_slice %arg4[%mul3A_95, %dma_wait3A_112] : memref<425984x32xf32, #tpu.memory_space<hbm>> -> memref<512x32xf32, #tpu.memory_space<hbm>>
      tpu.wait_dma2 semaphore(%run_scoped3A : memref<!tpu.dma_semaphore, #tpu.memory_space<semaphore_mem>>) src(%arg6 : memref<512x32xf32, #tpu.memory_space<vmem>>) dst(%dma_wait3A_113 : memref<512x32xf32, #tpu.memory_space<hbm>>)
      tpu.yield
    }) : () -> ()
    %dma_wait3A_96 = arith.constant 0 : i32
    %dma_wait3A_97 = arith.constant 0 : i32
    %dma_wait3A_98 = tpu.memref_slice %arg3[%dma_wait3A_96, %dma_wait3A_97] : memref<1015808x32xf32, #tpu.memory_space<hbm>> -> memref<512x32xf32, #tpu.memory_space<hbm>>
    %dma_wait3A_99 = arith.constant 0 : i32
    %dma_wait3A_100 = arith.constant 0 : i32
    %dma_wait3A_101 = tpu.memref_slice %arg3[%dma_wait3A_99, %dma_wait3A_100] : memref<1015808x32xf32, #tpu.memory_space<hbm>> -> memref<512x32xf32, #tpu.memory_space<hbm>>
    tpu.wait_dma2 semaphore(%arg9 : memref<!tpu.dma_semaphore, #tpu.memory_space<semaphore_mem>>) src(%dma_wait3A_101 : memref<512x32xf32, #tpu.memory_space<hbm>>) dst(%arg7 : memref<512x32xf32, #tpu.memory_space<vmem>>)
    %add3A_102 = arith.constant 100 : i32
    %add3A_103 = arith.addi %mul3A_2, %add3A_102 : i32
    %mul3A_104 = arith.constant 128 : i32
    %mul3A_105 = arith.muli %add3A_103, %mul3A_104 : i32
    "tpu.region"() ({
      %run_scoped3A = tpu.sem_alloc : memref<!tpu.dma_semaphore, #tpu.memory_space<semaphore_mem>>
      %dma_start3A_106 = arith.constant 0 : i32
      %dma_start3A_107 = tpu.memref_slice %arg4[%mul3A_105, %dma_start3A_106] : memref<425984x32xf32, #tpu.memory_space<hbm>> -> memref<512x32xf32, #tpu.memory_space<hbm>>
      %dma_start3A_108 = arith.constant 0 : i32
      %dma_start3A_109 = tpu.memref_slice %arg4[%mul3A_105, %dma_start3A_108] : memref<425984x32xf32, #tpu.memory_space<hbm>> -> memref<512x32xf32, #tpu.memory_space<hbm>>
      tpu.enqueue_dma source(%arg7 : memref<512x32xf32, #tpu.memory_space<vmem>>) target(%dma_start3A_109 : memref<512x32xf32, #tpu.memory_space<hbm>>) target_semaphore(%run_scoped3A : memref<!tpu.dma_semaphore, #tpu.memory_space<semaphore_mem>>)
      %dma_wait3A_110 = arith.constant 0 : i32
      %dma_wait3A_111 = tpu.memref_slice %arg4[%mul3A_105, %dma_wait3A_110] : memref<425984x32xf32, #tpu.memory_space<hbm>> -> memref<512x32xf32, #tpu.memory_space<hbm>>
      %dma_wait3A_112 = arith.constant 0 : i32
      %dma_wait3A_113 = tpu.memref_slice %arg4[%mul3A_105, %dma_wait3A_112] : memref<425984x32xf32, #tpu.memory_space<hbm>> -> memref<512x32xf32, #tpu.memory_space<hbm>>
      tpu.wait_dma2 semaphore(%run_scoped3A : memref<!tpu.dma_semaphore, #tpu.memory_space<semaphore_mem>>) src(%arg7 : memref<512x32xf32, #tpu.memory_space<vmem>>) dst(%dma_wait3A_113 : memref<512x32xf32, #tpu.memory_space<hbm>>)
      tpu.yield
    }) : () -> ()
    return
  }
}

module attributes {stable_mosaic.version = 14 : i64} {
  func.func @_detile_body(%arg0: i32, %arg1: memref<32x32768xf32, #tpu.memory_space<vmem>>, %arg2: memref<8192x128xf32, #tpu.memory_space<vmem>>) attributes {dimension_semantics = [#tpu.dimension_semantics<arbitrary>], iteration_bounds = array<i64: 31>, scalar_prefetch = 0 : i64, scratch_operands = 0 : i64, tpu.core_type = #tpu.core_type<tc>, window_params = [{transform_indices = @transform_0, window_bounds = array<i64: 32, 32768>}, {transform_indices = @transform_1, window_bounds = array<i64: 8192, 128>}]} {
    %get3A = arith.constant 0 : index
    %get3A_0 = arith.constant 0 : index
    %get3A_1 = vector.load %arg1[%get3A, %get3A_0] : memref<32x32768xf32, #tpu.memory_space<vmem>>, vector<32x32768xf32>
    %slice3A = vector.extract_strided_slice %get3A_1 {offsets = [0, 0], sizes = [32, 8192], strides = [1, 1]} : vector<32x32768xf32> to vector<32x8192xf32>
    %transpose3A = tpu.transpose %slice3A, [1, 0] : vector<32x8192xf32> -> vector<8192x32xf32>
    %slice3A_2 = vector.extract_strided_slice %get3A_1 {offsets = [0, 8192], sizes = [32, 8192], strides = [1, 1]} : vector<32x32768xf32> to vector<32x8192xf32>
    %transpose3A_3 = tpu.transpose %slice3A_2, [1, 0] : vector<32x8192xf32> -> vector<8192x32xf32>
    %slice3A_4 = vector.extract_strided_slice %get3A_1 {offsets = [0, 16384], sizes = [32, 8192], strides = [1, 1]} : vector<32x32768xf32> to vector<32x8192xf32>
    %transpose3A_5 = tpu.transpose %slice3A_4, [1, 0] : vector<32x8192xf32> -> vector<8192x32xf32>
    %slice3A_6 = vector.extract_strided_slice %get3A_1 {offsets = [0, 24576], sizes = [32, 8192], strides = [1, 1]} : vector<32x32768xf32> to vector<32x8192xf32>
    %transpose3A_7 = tpu.transpose %slice3A_6, [1, 0] : vector<32x8192xf32> -> vector<8192x32xf32>
    %concatenate3A = tpu.concatenate %transpose3A, %transpose3A_3, %transpose3A_5, %transpose3A_7 in 1 : vector<8192x32xf32>, vector<8192x32xf32>, vector<8192x32xf32>, vector<8192x32xf32> -> vector<8192x128xf32>
    %swap3A = arith.constant 0 : index
    %swap3A_8 = arith.constant 0 : index
    %swap3A_9 = vector.load %arg2[%swap3A, %swap3A_8] : memref<8192x128xf32, #tpu.memory_space<vmem>>, vector<8192x128xf32>
    tpu.vector_store %arg2[%swap3A, %swap3A_8], %concatenate3A {strides = array<i32>} : memref<8192x128xf32, #tpu.memory_space<vmem>>, vector<8192x128xf32>,
    return
  }
  func.func @transform_0(%arg0: i32) -> (i32, i32) {
    %c0_i32 = arith.constant 0 : i32
    %c0_i32_0 = arith.constant 0 : i32
    return %c0_i32, %arg0 : i32, i32
  }
  func.func @transform_1(%arg0: i32) -> (i32, i32) {
    %c0_i32 = arith.constant 0 : i32
    %c0_i32_0 = arith.constant 0 : i32
    return %arg0, %c0_i32 : i32, i32
  }
}

</mosaic_0001>

<sc_bundles>
// kernel: kernel.4.cloned.1.call-start
scs
__scs_entry_jumppad:
0x0: {  	(pc) =	sbr.rel $0x88, $3  }
0x1: {  	(tag) =	ssettag $0x0;
	lr =	simm.s32 $0x1  }
0x2: {  	[smem:$0x3F9F] =	sst lr;
	_ =	strace $0xD0000000  }
0x3: {  	_ = 	snop  }
0x4: {  	_ = 	snop  }
0x5: {  	_ = 	snop  }
0x6: {  	_ = 	snop  }
0x7: {  	_ = 	snop  }
__scs_overlays_trampoline_lowered:
0x8: {  	[smem:$0x3FAE] =	sst s0  }
0x9: {  	[smem:$0x3FAF] =	sst s1  }
0xa: {  	[smem:$0x3FB0] =	sst s2  }
0xb: {  	[smem:$0x3FB1] =	sst s3  }
0xc: {  	[smem:$0x3FB2] =	sst s4  }
0xd: {  	[smem:$0x3FB3] =	sst s5  }
0xe: {  	[smem:$0x3FB4] =	sst s6  }
0xf: {  	[smem:$0x3FB5] =	sst s7  }
0x10: {  	[smem:$0x3FB6] =	sst s8  }
0x11: {  	[smem:$0x3FB7] =	sst s9;
	s0 =	simm.s32 @!p0 $0x0  }
0x12: {  	s1 =	sld [smem:$0x3F9D];
	s0 =	simm.s32 @p0 $0x1  }
0x13: {  	[smem:$0x3FB8] =	sst s0;
	s0 =	simm.s32 @!p1 $0x0  }
0x14: {  	s2 =	sld [smem:$0x3F9C];
	s0 =	simm.s32 @p1 $0x1  }
0x15: {  	[smem:$0x3FB9] =	sst s0;
	s0 =	simm.s32 @!p2 $0x0  }
0x16: {  	s3 =	sld [smem:$0x3FDB];
	s0 =	simm.s32 @p2 $0x1  }
0x17: {  	s4 =	simm.s32 $0x1BF5;
	[smem:$0x3FBB] =	sst s0  }
0x18: {  	s0 =	sld [smem:$0x3F9E];
	_ =	swait.ge [sflag:s4], $0x0  }
0x19: {  	s7 =	sld [smem:$0x3F9F]  }
0x1a: {  	s8 =	sadd.s32 $0xFFFFE003, lr  }
0x1b: {  	s9 =	sadd.s32 $0xFFFFFEF7, lr;
	s5 =	simm.s32 $0xFFFFFFFF;
	p2 =	slt.u32 s8, $0xFFFFF086  }
0x1c: {  	p1 =	slt.u32 s9, $0xF7A;
	s5 =	simm.s32 @!p2 $0x0  }
0x1d: {  	s5 =	simm.s32 @p1 $0x1;
	p0 =	seq.s32 s7, s2  }
0x1e: {  	s7 =	smul.u32 @!p0 $0xF7A, s2;
	p2 =	seq.s32 @!p0 s5, $0x0  }
0x1f: {  	s9 =	smul.u32 $0xF7A, s1;
	s8 =	simm.s32 @!p0 $0x1BF5;
	p2 =	por !p2, p0  }
0x20: {  	[sflag:s8] =	ssyncset.s32 @!p0 $0xFFFFF086;
	s6 =	sadd.s32 @!p0 s3, s7;
	s7 =	simm.s32 @!p0 $0x108  }
0x21: {  	s3 =	sadd.s32 s3, s9;
	s6 =	sadd.s32 @!p0 $0x88, s6;
	s7 =	simm.s32 @p2 $0x1082  }
0x22: {  	[simem:s7], [sflag:s8] =	dma.local @!p0 [hbm:s6], $0xF7A  }
0x23: {  	s9 =	sor.u32 $0xD0000000, s2;
	s6 =	simm.s32 $0x108;
	_ =	swait.ge @!p0 [sflag:s8], $0x0  }
0x24: {  	s3 =	sadd.s32 $0x88, s3;
	s6 =	simm.s32 @!p1 $0x1082;
	[sflag:s4] =	ssyncset.s32 $0xFFFFF086  }
0x25: {  	[simem:s6], [sflag:s4] =	dma.local [hbm:s3], $0xF7A  }
0x26: {  	[smem:$0x3F9F] =	sst s1;
	(tag) =	ssettag s2;
	_ =	strace s9  }
0x27: {  	s1 =	sld [smem:$0x3FAF]  }
0x28: {  	s2 =	sld [smem:$0x3FB0]  }
0x29: {  	s4 =	sld [smem:$0x3FB2]  }
0x2a: {  	p0 =	seq.s32 s5, $0x0;
	s5 =	sld [smem:$0x3FB3]  }
0x2b: {  	s6 =	sld [smem:$0x3FB4]  }
0x2c: {  	s7 =	sld [smem:$0x3FB5]  }
0x2d: {  	s3 =	simm.s32 $0x108;
	s8 =	sld [smem:$0x3FB6]  }
0x2e: {  	s3 =	simm.s32 @!p0 $0x1082;
	s9 =	sld [smem:$0x3FB7]  }
0x2f: {  	lr =	sadd.s32 s0, s3;
	s0 =	sld [smem:$0x3FAE]  }
0x30: {  	s3 =	sld [smem:$0x3FB1]  }
0x31: {  	[smem:$0x3FBA] =	sst s10  }
0x32: {  	s10 =	sld [smem:$0x3FB8];
	_ =	sdelay $0x3  }
0x33: {  	p0 =	seq.s32 s10, $0x1;
	s10 =	sld [smem:$0x3FBA];
	_ =	sdelay $0x3  }
0x34: {  	[smem:$0x3FBA] =	sst s10  }
0x35: {  	s10 =	sld [smem:$0x3FB9];
	_ =	sdelay $0x3  }
0x36: {  	p1 =	seq.s32 s10, $0x1;
	s10 =	sld [smem:$0x3FBA];
	_ =	sdelay $0x3  }
0x37: {  	[smem:$0x3FBA] =	sst s10  }
0x38: {  	s10 =	sld [smem:$0x3FBB]  }
0x39: {  	_ = 	snop;
	(pc) =	sbr.ind lr, $3  }
0x3a: {  	_ = 	snop  }
0x3b: {  	_ = 	snop  }
0x3c: {  	p2 =	seq.s32 s10, $0x1;
	s10 =	sld [smem:$0x3FBA]  }
0x3d: {  	_ =	shalt  }
0x3e: {  	_ =	shalt  }
0x3f: {  	_ =	shalt  }
0x40: {  	_ =	shalt  }
0x41: {  	_ =	shalt  }
0x42: {  	_ =	shalt  }
0x43: {  	_ =	shalt  }
0x44: {  	_ =	shalt  }
0x45: {  	_ =	shalt  }
0x46: {  	_ =	shalt  }
0x47: {  	_ =	shalt  }
0x48: {  	_ =	shalt  }
0x49: {  	_ =	shalt  }
0x4a: {  	_ =	shalt  }
0x4b: {  	_ =	shalt  }
0x4c: {  	_ =	shalt  }
0x4d: {  	_ =	shalt  }
0x4e: {  	_ =	shalt  }
0x4f: {  	_ =	shalt  }
0x50: {  	_ =	shalt  }
0x51: {  	_ =	shalt  }
0x52: {  	_ =	shalt  }
0x53: {  	_ =	shalt  }
0x54: {  	_ =	shalt  }
0x55: {  	_ =	shalt  }
0x56: {  	_ =	shalt  }
0x57: {  	_ =	shalt  }
0x58: {  	_ =	shalt  }
0x59: {  	_ =	shalt  }
0x5a: {  	_ =	shalt  }
0x5b: {  	_ =	shalt  }
0x5c: {  	_ =	shalt  }
0x5d: {  	_ =	shalt  }
0x5e: {  	_ =	shalt  }
0x5f: {  	_ =	shalt  }
0x60: {  	_ =	shalt  }
0x61: {  	_ =	shalt  }
0x62: {  	_ =	shalt  }
0x63: {  	_ =	shalt  }
0x64: {  	_ =	shalt  }
0x65: {  	_ =	shalt  }
0x66: {  	_ =	shalt  }
0x67: {  	_ =	shalt  }
0x68: {  	_ =	shalt  }
0x69: {  	_ =	shalt  }
0x6a: {  	_ =	shalt  }
0x6b: {  	_ =	shalt  }
0x6c: {  	_ =	shalt  }
0x6d: {  	_ =	shalt  }
0x6e: {  	_ =	shalt  }
0x6f: {  	_ =	shalt  }
0x70: {  	_ =	shalt  }
0x71: {  	_ =	shalt  }
0x72: {  	_ =	shalt  }
0x73: {  	_ =	shalt  }
0x74: {  	_ =	shalt  }
0x75: {  	_ =	shalt  }
0x76: {  	_ =	shalt  }
0x77: {  	_ =	shalt  }
0x78: {  	_ =	shalt  }
0x79: {  	_ =	shalt  }
0x7a: {  	_ =	shalt  }
0x7b: {  	_ =	shalt  }
0x7c: {  	_ =	shalt  }
0x7d: {  	_ =	shalt  }
0x7e: {  	_ =	shalt  }
0x7f: {  	_ =	shalt  }
0x80: {  	_ =	shalt  }
0x81: {  	_ =	shalt  }
0x82: {  	_ =	shalt  }
0x83: {  	_ =	shalt  }
0x84: {  	_ =	shalt  }
0x85: {  	_ =	shalt  }
0x86: {  	_ =	shalt  }
0x87: {  	_ =	shalt  }
.Lfunc_end0:
.L_simem_size_0:
called_computation.1_lowered:
.L_overlay_start_0:
0x88: {  	s2 =	sld [smem:$0x3FD9]  }
0x89: {  	s3 =	sld [smem:$0x3FFE];
	_ =	sdelay $0x1  }
0x8a: {  	s1 =	srdreg.scid  }
0x8b: {  	s0 =	sand.u32 $0x1, s1  }
0x8c: {  	s17 =	sshll.u32 s0, $0xA;
	s2 =	sadd.s32 s3, s2  }
0x8d: {  	s2 =	sadd.s32 s2, s17  }
0x8e: {  	[smem:$0x3FC6] =	sst s2  }
0x8f: {  	_ = 	snop  }
0x90: {  	s2 =	sld [smem:$0x3FD0];
	(tm) =	ssettm $0x1  }
0x91: {  	s18 =	sld [smem:$0x3FFB];
	_ =	sdelay $0x3  }
0x92: {  	_ =	strace s18  }
0x93: {  	s3 =	sld [smem:$0x3FFC];
	_ =	sdelay $0x3  }
0x94: {  	_ =	strace s3  }
0x95: {  	s3 =	sld [smem:$0x3FFD];
	_ =	sdelay $0x3  }
0x96: {  	_ =	strace s3  }
0x97: {  	_ =	strace $0x8FFFFFFF  }
0x98: {  	s19 =	sld [smem:$0x3FDB];
	_ =	sdelay $0x1  }
0x99: {  	s4 =	simm.s32 $_scs_section_size  }
0x9a: {  	s5 =	simm.s32 $_size__tile_overlayer_lowered;
	s6 =	simm.s32 $_tile_overlayer_lowered  }
0x9b: {  	s22 =	simm.s32 $0x1BFF;
	s21 =	sshll.u32 s6, $0x1;
	s3 =	sadd.s32 s4, s19  }
0x9c: {  	s7 =	simm.s32 $0x0;
	s20 =	sshll.u32 s5, $0x1;
	s5 =	sadd.s32 s21, s3  }
0x9d: {  	[timem:s7], [sflag:s22] =	dma.local [hbm:s5], s20  }
0x9e: {  	_ =	swait.ge [sflag:s22], s20  }
0x9f: {  	s4 =	ssub.s32 $0x0, s20;
	[sflag:s22] =	ssyncset.done $0x0  }
0xa0: {  	[sflag:s22] =	ssyncadd.s32 s4;
	_ =	sdelay $0x1  }
0xa1: {  	s23 =	simm.s32 $0x1B8B  }
0xa2: {  	_ =	swait.ge [sflag:s23], $0x1  }
0xa3: {  	[sflag:s23] =	ssyncset.done $0x0  }
0xa4: {  	s25 =	simm.s32 $0x1B8E;
	s24 =	sld [smem:$0x3FFE];
	[sflag:s23] =	ssyncadd.s32 $0xFFFFFFFF  }
0xa5: {  	s26 =	simm.s32 $execute0_lowered;
	[smem:$0x3FD2] =	sst s25  }
0xa6: {  	s5 =	sshll.u32 s26, $0x1;
	_ =	strace $0x80000046;
	[dreg:$0x1] =	wrdreg $0xFFFFFFFF  }
0xa7: {  	s28 =	simm.s32 $_size_execute0_lowered;
	s3 =	sadd.s32 s3, s5;
	[dreg:$0x0] =	wrdreg $0x0  }
0xa8: {  	s5 =	sshll.u32 s28, $0x1;
	[dreg:$0x2] =	wrdreg s3  }
0xa9: {  	[dreg:$0x3] =	wrdreg s5  }
0xaa: {  	[dreg:$0x4] =	wrdreg $0xC0  }
0xab: {  	_ =	task [dreg:s7], $0x5FFFF  }
0xac: {  	[dreg:$0x1] =	wrdreg $0xFFFFFFFF  }
0xad: {  	[dreg:$0x0] =	wrdreg $0x60  }
0xae: {  	[dreg:$0x2] =	wrdreg s24  }
0xaf: {  	[dreg:$0x3] =	wrdreg s2  }
0xb0: {  	[dreg:$0x4] =	wrdreg $0x9  }
0xb1: {  	_ =	task.clear_ibuf [dreg:s7], $0x5FFFF;
	_ =	strace $0x90000046  }
0xb2: {  	s29 =	simm.s32 $0x9;
	_ =	strace $0x80000048  }
0xb3: {  	_ =	swait.ge [sflag:s29], $0x1  }
0xb4: {  	[sflag:s29] =	ssyncadd.s32 $0xFFFFFFFF  }
0xb5: {  	_ =	strace $0x90000048  }
0xb6: {  	_ =	sfence  }
0xb7: {  	s30 =	sld [smem:$0x0];
	_ =	sdelay $0x2  }
0xb8: {  	s31 =	sshll.u32 s1, $0xD;
	s1 =	sshrl.u32 s1, $0x2  }
0xb9: {  	s3 =	sand.u32 $0x4000, s31;
	s1 =	sadd.s32 s1, s30  }
0xba: {  	s0 =	sor.u32 s3, s0;
	s1 =	sshll.u32 s1, $0x11  }
0xbb: {  	s0 =	sor.u32 s1, s0  }
0xbc: {  	s0 =	sadd.s32 $0x8F2B, s0  }
0xbd: {  	[sflag:s0] =	ssyncadd.remote.s32 $0x1  }
0xbe: {  	_ =	sfence.sel $0xFFFF  }
0xbf: {  	[dreg:$0x0] =	wrdreg $0xFFFFFFFF;
	(pc) =	sbr.abs _section_cstart, $3  }
0xc0: {  	[dreg:$0x1] =	wrdreg $0xFFFFFFFF  }
0xc1: {  	_ =	task.clear_ibuf [dreg:s7], $0x2FFFF;
	_ =	strace $0x9FFFFFFF  }
0xc2: {  	(tm) =	ssettm $0x7FFFFFFF  }
0xc3: {  	_ =	shalt  }
tec
execute0_lowered:
.L_overlay_start_1:
0x0: {  	(tag) =	ssettag $0x1  }
0x1: {  	s1 =	srdreg.scid;
	s3 =	rddreg [dreg:$0x0]  }
0x2: {  	s0 =	stileid.u32;
	s8 =	rddreg [dreg:$0x1]  }
0x3: {  	s2 =	simm.s32 $0x0;
	s14 =	simm.s32 $0x100;
	s15 =	simm.s32 $0x5400  }
0x4: {  	s16 =	simm.s32 $0x180;
	s17 =	simm.s32 $0x6400;
	s18 =	simm.s32 $0x200  }
0x5: {  	s19 =	simm.s32 $0x7400;
	s20 =	simm.s32 $0x280;
	s21 =	simm.s32 $0x8400  }
0x6: {  	s22 =	simm.s32 $0x300;
	s23 =	simm.s32 $0x9400;
	s24 =	simm.s32 $0x380  }
0x7: {  	s25 =	simm.s32 $0xA400;
	s28 =	simm.s32 $0x2;
	s9 =	smul.u32 $0xD0000, s0  }
0x8: {  	s29 =	simm.s32 $0x0;
	s6 =	sand.u32 $0x1, s1;
	s12 =	smul.u32 $0x1A000, s0  }
0x9: {  	s26 =	sshll.u32 s0, $0x1;
	[smem:$0x7FF] =	sst s2;
	s11 =	smul.u32 $0x68000, s6  }
0xa: {  	s4 =	sor.u32 s6, s26;
	_ =	strace $0x80000047;
	s13 =	smul.u32 $0xD000, s6  }
0xb: {  	s7 =	ssub.s32 $0x2, s6;
	s26 =	simm.s32 $0x1;
	s5 =	smul.u32 $0x680, s4  }
0xc: {  	s4 =	smul.u32 $0x68000, s4;
	s10 =	sshrl.u32 s7, $0x1;
	s31 =	sadd.s32 s12, s8  }
0xd: {  	s12 =	simm.s32 $0x3400;
	s7 =	ssub.s32 s7, s10;
	s9 =	sadd.s32 s11, s9  }
0xe: {  	s10 =	sadd.s32 s13, s31;
	s11 =	simm.s32 $0x80;
	s13 =	simm.s32 $0x4400  }
0xf: {  	s5 =	sadd.s32 s5, s3;
	s3 =	sadd.s32 $0xD800, s3;
	s4 =	sshrl.u32 s4, $0x3  }
0x10: {  	s7 =	smax.u32 s7, $0x1;
	s9 =	sshrl.u32 s9, $0x3;
	s30 =	sadd.s32 s8, s4  }
0x11: {  	s4 =	sadd.s32 $0x800, s5;
	s8 =	sadd.s32 s9, s8;
	s9 =	sadd.s32 $0x800, s10  }
0x12: {  	s10 =	simm.s32 $0x3;
	s5 =	sadd.s32 $0xC000, s30;
	s6 =	sadd.s32 $0xC800, s30  }
.LBB2_1:
0x13: {  	[tilespmem:s2], [sflag:$0x3] =	stream.linear.gather [hbm4b:s4+s2], $0x3400, $0x38;
	[tilespmem:$0xB400] =	vst v63  }
0x14: {  	_ =	swait.ge [sflag:s10], $0x3400  }
0x15: {  	[sflag:s10] =	ssyncset.done $0x0  }
0x16: {  	[sflag:s10] =	ssyncadd.s32 $0xFFFFCC00  }
0x17: {  	[tilespmem:s12], [sflag:$0x1] =	stream.indirect.gather [hbm4b:s3+s11], $0x20, s2, s11, $0xb8;
	[tilespmem:$0xB400] =	vst v63  }
0x18: {  	_ = 	snop  }
0x19: {  	[tilespmem:s13], [sflag:$0x1] =	stream.indirect.gather [hbm4b:s3+s11], $0x20, s11, s11, $0xb8;
	[tilespmem:$0xB400] =	vst v63  }
0x1a: {  	_ = 	snop  }
0x1b: {  	[tilespmem:s15], [sflag:$0x1] =	stream.indirect.gather [hbm4b:s3+s11], $0x20, s14, s11, $0xb8;
	[tilespmem:$0xB400] =	vst v63  }
0x1c: {  	_ = 	snop  }
0x1d: {  	[tilespmem:s17], [sflag:$0x1] =	stream.indirect.gather [hbm4b:s3+s11], $0x20, s16, s11, $0xb8;
	[tilespmem:$0xB400] =	vst v63  }
0x1e: {  	_ = 	snop  }
0x1f: {  	[tilespmem:s19], [sflag:$0x2] =	stream.indirect.gather [hbm4b:s3+s11], $0x20, s18, s11, $0xb8;
	[tilespmem:$0xB400] =	vst v63  }
0x20: {  	_ = 	snop  }
0x21: {  	[tilespmem:s21], [sflag:$0x2] =	stream.indirect.gather [hbm4b:s3+s11], $0x20, s20, s11, $0xb8;
	[tilespmem:$0xB400] =	vst v63  }
0x22: {  	_ = 	snop  }
0x23: {  	[tilespmem:s23], [sflag:$0x2] =	stream.indirect.gather [hbm4b:s3+s11], $0x20, s22, s11, $0xb8;
	[tilespmem:$0xB400] =	vst v63  }
0x24: {  	_ = 	snop  }
0x25: {  	[tilespmem:s25], [sflag:$0x2] =	stream.indirect.gather [hbm4b:s3+s11], $0x20, s24, s11, $0xb8;
	[tilespmem:$0xB400] =	vst v63  }
0x26: {  	_ =	swait.ge [sflag:s26], $0x4000  }
0x27: {  	[sflag:s26] =	ssyncset.done $0x0  }
0x28: {  	s30 =	sadd.s32 $0x0, s8;
	[sflag:s26] =	ssyncadd.s32 $0xFFFFC000  }
0x29: {  	[hbm4b:s30+s2] =	stream.linear.scatter [tilespmem:s12], [sflag:$0x3], $0x4000, $0x38;
	[tilespmem:$0xB400] =	vst v63  }
0x2a: {  	_ =	swait.ge [sflag:s10], $0x4000  }
0x2b: {  	[sflag:s10] =	ssyncset.done $0x0  }
0x2c: {  	s30 =	simm.s32 $0x400;
	[sflag:s10] =	ssyncadd.s32 $0xFFFFC000  }
0x2d: {  	[tilespmem:s12], [sflag:$0x1] =	stream.indirect.gather [hbm4b:s3+s11], $0x20, s30, s11, $0xb8;
	[tilespmem:$0xB400] =	vst v63  }
0x2e: {  	s30 =	simm.s32 $0x480  }
0x2f: {  	[tilespmem:s13], [sflag:$0x1] =	stream.indirect.gather [hbm4b:s3+s11], $0x20, s30, s11, $0xb8;
	[tilespmem:$0xB400] =	vst v63  }
0x30: {  	s30 =	simm.s32 $0x500  }
0x31: {  	[tilespmem:s15], [sflag:$0x1] =	stream.indirect.gather [hbm4b:s3+s11], $0x20, s30, s11, $0xb8;
	[tilespmem:$0xB400] =	vst v63  }
0x32: {  	s30 =	simm.s32 $0x580  }
0x33: {  	[tilespmem:s17], [sflag:$0x1] =	stream.indirect.gather [hbm4b:s3+s11], $0x20, s30, s11, $0xb8;
	[tilespmem:$0xB400] =	vst v63  }
0x34: {  	_ =	swait.ge [sflag:s28], $0x4000  }
0x35: {  	[sflag:s28] =	ssyncset.done $0x0  }
0x36: {  	s30 =	sadd.s32 $0x0, s9;
	[sflag:s28] =	ssyncadd.s32 $0xFFFFC000  }
0x37: {  	[hbm4b:s30+s2] =	stream.linear.scatter [tilespmem:s19], [sflag:$0x3], $0x4000, $0x38;
	[tilespmem:$0xB400] =	vst v63  }
0x38: {  	_ =	swait.ge [sflag:s10], $0x4000  }
0x39: {  	[sflag:s10] =	ssyncset.done $0x0  }
0x3a: {  	s30 =	simm.s32 $0x600;
	[sflag:s10] =	ssyncadd.s32 $0xFFFFC000  }
0x3b: {  	[tilespmem:s19], [sflag:$0x2] =	stream.indirect.gather [hbm4b:s3+s11], $0x20, s30, s11, $0xb8;
	[tilespmem:$0xB400] =	vst v63  }
0x3c: {  	s30 =	simm.s32 $0x680  }
0x3d: {  	[tilespmem:s21], [sflag:$0x2] =	stream.indirect.gather [hbm4b:s3+s11], $0x20, s30, s11, $0xb8;
	[tilespmem:$0xB400] =	vst v63  }
0x3e: {  	s30 =	simm.s32 $0x700  }
0x3f: {  	[tilespmem:s23], [sflag:$0x2] =	stream.indirect.gather [hbm4b:s3+s11], $0x20, s30, s11, $0xb8;
	[tilespmem:$0xB400] =	vst v63  }
0x40: {  	s31 =	simm.s32 $0x780;
	s30 =	simm.s32 $0x1000  }
.LBB2_2:
0x41: {  	[tilespmem:s25], [sflag:$0x2] =	stream.indirect.gather [hbm4b:s3+s11], $0x20, s31, s11, $0xb8;
	[tilespmem:$0xB400] =	vst v63  }
0x42: {  	s31 =	smov.u32 s30  }
0x43: {  	p0 =	sne.s32 s30, $0xB000;
	s30 =	sadd.s32 $0x1000, s30;
	_ =	swait.ge [sflag:s26], $0x4000  }
0x44: {  	[sflag:s26] =	ssyncset.done $0x0  }
0x45: {  	s1 =	sadd.s32 s31, s8;
	[sflag:s26] =	ssyncadd.s32 $0xFFFFC000  }
0x46: {  	[hbm4b:s1+s2] =	stream.linear.scatter [tilespmem:s12], [sflag:$0x3], $0x4000, $0x38;
	[tilespmem:$0xB400] =	vst v63  }
0x47: {  	_ =	swait.ge [sflag:s10], $0x4000  }
0x48: {  	s1 =	sshra.s32 s31, $0x2;
	[sflag:s10] =	ssyncset.done $0x0  }
0x49: {  	s0 =	sadd.s32 $0x400, s1;
	[sflag:s10] =	ssyncadd.s32 $0xFFFFC000  }
0x4a: {  	[tilespmem:s12], [sflag:$0x1] =	stream.indirect.gather [hbm4b:s3+s11], $0x20, s0, s11, $0xb8;
	[tilespmem:$0xB400] =	vst v63  }
0x4b: {  	s0 =	sadd.s32 $0x480, s1  }
0x4c: {  	[tilespmem:s13], [sflag:$0x1] =	stream.indirect.gather [hbm4b:s3+s11], $0x20, s0, s11, $0xb8;
	[tilespmem:$0xB400] =	vst v63  }
0x4d: {  	s0 =	sadd.s32 $0x500, s1  }
0x4e: {  	[tilespmem:s15], [sflag:$0x1] =	stream.indirect.gather [hbm4b:s3+s11], $0x20, s0, s11, $0xb8;
	[tilespmem:$0xB400] =	vst v63  }
0x4f: {  	s0 =	sadd.s32 $0x580, s1  }
0x50: {  	[tilespmem:s17], [sflag:$0x1] =	stream.indirect.gather [hbm4b:s3+s11], $0x20, s0, s11, $0xb8;
	[tilespmem:$0xB400] =	vst v63  }
0x51: {  	_ =	swait.ge [sflag:s28], $0x4000  }
0x52: {  	[sflag:s28] =	ssyncset.done $0x0  }
0x53: {  	s0 =	sadd.s32 s31, s9;
	[sflag:s28] =	ssyncadd.s32 $0xFFFFC000  }
0x54: {  	[hbm4b:s0+s2] =	stream.linear.scatter [tilespmem:s19], [sflag:$0x3], $0x4000, $0x38;
	[tilespmem:$0xB400] =	vst v63  }
0x55: {  	_ =	swait.ge [sflag:s10], $0x4000  }
0x56: {  	[sflag:s10] =	ssyncset.done $0x0  }
0x57: {  	s0 =	sadd.s32 $0x600, s1;
	[sflag:s10] =	ssyncadd.s32 $0xFFFFC000  }
0x58: {  	[tilespmem:s19], [sflag:$0x2] =	stream.indirect.gather [hbm4b:s3+s11], $0x20, s0, s11, $0xb8;
	[tilespmem:$0xB400] =	vst v63  }
.Ltmp0:
0x59: {  	s0 =	sadd.s32 $0x680, s1;
	(pc) =	sbr.rel @p0 .LBB2_2-.Ltmp0, $4  }
0x5a: {  	[tilespmem:s21], [sflag:$0x2] =	stream.indirect.gather [hbm4b:s3+s11], $0x20, s0, s11, $0xb8;
	[tilespmem:$0xB400] =	vst v63  }
0x5b: {  	s0 =	sadd.s32 $0x700, s1  }
0x5c: {  	[tilespmem:s23], [sflag:$0x2] =	stream.indirect.gather [hbm4b:s3+s11], $0x20, s0, s11, $0xb8;
	[tilespmem:$0xB400] =	vst v63  }
0x5d: {  	s31 =	sadd.s32 $0x780, s1  }
0x5e: {  	[tilespmem:s25], [sflag:$0x2] =	stream.indirect.gather [hbm4b:s3+s11], $0x20, s31, s11, $0xb8;
	[tilespmem:$0xB400] =	vst v63  }
0x5f: {  	_ =	swait.ge [sflag:s26], $0x4000  }
0x60: {  	[sflag:s26] =	ssyncset.done $0x0  }
0x61: {  	[sflag:s26] =	ssyncadd.s32 $0xFFFFC000  }
0x62: {  	[hbm4b:s5+s2] =	stream.linear.scatter [tilespmem:s12], [sflag:$0x3], $0x4000, $0x38;
	[tilespmem:$0xB400] =	vst v63  }
0x63: {  	_ =	swait.ge [sflag:s10], $0x4000  }
0x64: {  	[sflag:s10] =	ssyncset.done $0x0  }
0x65: {  	[sflag:s10] =	ssyncadd.s32 $0xFFFFC000  }
0x66: {  	s29 =	sadd.s32 $0x1, s29;
	_ =	swait.ge [sflag:s28], $0x4000  }
0x67: {  	p0 =	sne.s32 s29, s7;
	[sflag:s28] =	ssyncset.done $0x0  }
.Ltmp1:
0x68: {  	[sflag:s28] =	ssyncadd.s32 $0xFFFFC000;
	(pc) =	sbr.rel @p0 .LBB2_1-.Ltmp1, $4  }
0x69: {  	[hbm4b:s6+s2] =	stream.linear.scatter [tilespmem:s19], [sflag:$0x3], $0x4000, $0x38;
	[tilespmem:$0xB400] =	vst v63  }
0x6a: {  	_ =	swait.ge [sflag:s10], $0x4000  }
0x6b: {  	[sflag:s10] =	ssyncset.done $0x0  }
0x6c: {  	[sflag:s10] =	ssyncadd.s32 $0xFFFFC000  }
0x6d: {  	_ =	sfence.sel $0x180000  }
0x6e: {  	[bflag:$0x0] =	sbarrier.arrive $0xFFFF  }
0x6f: {  	_ =	strace $0x90000047  }
0x70: {  	s0 =	stileid.u32;
	[bflag:$0x2] =	sbarrier.arrive $0xFFFF  }
0x71: {  	p0 =	sne.s32 s0, $0x0;
	s0 =	rddreg [dreg:$0x2]  }
0x72: {  	s0 =	sadd.s32 @!p0 $0x100000, s0  }
0x73: {  	[sflag:s0] =	ssyncadd.tile.s32 @!p0 $0x1;
	_ =	shalt  }
.Lfunc_end2:
_tile_overlayer_lowered:
.L_overlay_start_2:
0x74: {  	(tag) =	ssettag $0x2  }
0x75: {  	s0 =	rddreg [dreg:$0x0];
	s2 =	stileid.u32  }
0x76: {  	s1 =	rddreg [dreg:$0x1];
	p0 =	sne.s32 s2, $0x0  }
0x77: {  	s3 =	rddreg [dreg:$0x2];
	[bflag:$0x3] =	sbarrier.arrive $0xFFFF;
	s2 =	simm.s32 @!p0 $0x1C03  }
0x78: {  	[timem:s3], [sflag:s2] =	dma.local @!p0 [hbm:s0], s1  }
0x79: {  	s0 =	simm.s32 @!p0 $0x3  }
0x7a: {  	_ =	swait.ge @!p0 [sflag:s0], s1  }
0x7b: {  	s1 =	ssub.s32 @!p0 $0x0, s1;
	[sflag:s0] =	ssyncset.done @!p0 $0x0  }
0x7c: {  	[sflag:s0] =	ssyncadd.s32 @!p0 s1  }
0x7d: {  	[bflag:$0x3] =	sbarrier.arrive $0xFFFF  }
0x7e: {  	_ =	shalt  }

// kernel: sparse-core-data-format-call.cloned.1.call-start
scs
called_computation_lowered:
.L_overlay_start_0:
0x0: {  	s2 =	sld [smem:$0x3FD9]  }
0x1: {  	s3 =	sld [smem:$0x3FFE];
	_ =	sdelay $0x1  }
0x2: {  	s1 =	srdreg.scid  }
0x3: {  	s0 =	sand.u32 $0x1, s1  }
0x4: {  	s18 =	sshll.u32 s0, $0xA;
	s2 =	sadd.s32 s3, s2  }
0x5: {  	s2 =	sadd.s32 s2, s18  }
0x6: {  	[smem:$0x3FC6] =	sst s2  }
0x7: {  	_ = 	snop  }
0x8: {  	s2 =	sld [smem:$0x3FD0];
	(tm) =	ssettm $0x1  }
0x9: {  	s19 =	sld [smem:$0x3FFB];
	_ =	sdelay $0x3  }
0xa: {  	_ =	strace s19  }
0xb: {  	s3 =	sld [smem:$0x3FFC];
	_ =	sdelay $0x3  }
0xc: {  	_ =	strace s3  }
0xd: {  	s3 =	sld [smem:$0x3FFD];
	_ =	sdelay $0x3  }
0xe: {  	_ =	strace s3  }
0xf: {  	_ =	strace $0x8FFFFFFF  }
0x10: {  	s20 =	sld [smem:$0x3FDB];
	_ =	sdelay $0x1  }
0x11: {  	s4 =	simm.s32 $_scs_section_size  }
0x12: {  	s5 =	simm.s32 $_size__tile_overlayer_lowered;
	s6 =	simm.s32 $_tile_overlayer_lowered  }
0x13: {  	s23 =	simm.s32 $0x1BFF;
	s22 =	sshll.u32 s6, $0x1;
	s3 =	sadd.s32 s4, s20  }
0x14: {  	s7 =	simm.s32 $0x0;
	s21 =	sshll.u32 s5, $0x1;
	s5 =	sadd.s32 s22, s3  }
0x15: {  	[timem:s7], [sflag:s23] =	dma.local [hbm:s5], s21  }
0x16: {  	_ =	swait.ge [sflag:s23], s21  }
0x17: {  	s4 =	ssub.s32 $0x0, s21;
	[sflag:s23] =	ssyncset.done $0x0  }
0x18: {  	[sflag:s23] =	ssyncadd.s32 s4;
	_ =	sdelay $0x1  }
0x19: {  	s24 =	simm.s32 $0x1B8B  }
0x1a: {  	_ =	swait.ge [sflag:s24], $0x1  }
0x1b: {  	[sflag:s24] =	ssyncset.done $0x0  }
0x1c: {  	s26 =	simm.s32 $0x1B8E;
	s25 =	sld [smem:$0x3FFE];
	[sflag:s24] =	ssyncadd.s32 $0xFFFFFFFF  }
0x1d: {  	s27 =	simm.s32 $execute0_lowered;
	[smem:$0x3FD2] =	sst s26  }
0x1e: {  	s5 =	sshll.u32 s27, $0x1;
	_ =	strace $0x80000049;
	[dreg:$0x1] =	wrdreg $0xFFFFFFFF  }
0x1f: {  	s28 =	simm.s32 $_size_execute0_lowered;
	s3 =	sadd.s32 s3, s5;
	[dreg:$0x0] =	wrdreg $0x0  }
0x20: {  	s5 =	sshll.u32 s28, $0x1;
	[dreg:$0x2] =	wrdreg s3  }
0x21: {  	[dreg:$0x3] =	wrdreg s5  }
0x22: {  	[dreg:$0x4] =	wrdreg $0xC0  }
0x23: {  	_ =	task [dreg:s7], $0x5FFFF  }
0x24: {  	[dreg:$0x1] =	wrdreg $0xFFFFFFFF  }
0x25: {  	[dreg:$0x0] =	wrdreg $0x60  }
0x26: {  	[dreg:$0x2] =	wrdreg s25  }
0x27: {  	[dreg:$0x3] =	wrdreg s2  }
0x28: {  	[dreg:$0x4] =	wrdreg $0x9  }
0x29: {  	_ =	task.clear_ibuf [dreg:s7], $0x5FFFF;
	_ =	strace $0x90000049  }
0x2a: {  	s29 =	simm.s32 $0x9;
	_ =	strace $0x8000004B  }
0x2b: {  	_ =	swait.ge [sflag:s29], $0x1  }
0x2c: {  	[sflag:s29] =	ssyncadd.s32 $0xFFFFFFFF  }
0x2d: {  	_ =	strace $0x9000004B  }
0x2e: {  	_ =	sfence  }
0x2f: {  	s30 =	sld [smem:$0x0];
	_ =	sdelay $0x2  }
0x30: {  	s31 =	sshll.u32 s1, $0xD;
	s1 =	sshrl.u32 s1, $0x2  }
0x31: {  	s3 =	sand.u32 $0x4000, s31;
	s1 =	sadd.s32 s1, s30  }
0x32: {  	s0 =	sor.u32 s3, s0;
	s1 =	sshll.u32 s1, $0x11  }
0x33: {  	s0 =	sor.u32 s1, s0  }
0x34: {  	s0 =	sadd.s32 $0x8F2B, s0  }
0x35: {  	[sflag:s0] =	ssyncadd.remote.s32 $0x1  }
0x36: {  	_ =	sfence.sel $0xFFFF  }
0x37: {  	[dreg:$0x0] =	wrdreg $0xFFFFFFFF;
	(pc) =	sbr.abs _section_cstart, $3  }
0x38: {  	[dreg:$0x1] =	wrdreg $0xFFFFFFFF  }
0x39: {  	_ =	task.clear_ibuf [dreg:s7], $0x2FFFF;
	_ =	strace $0x9FFFFFFF  }
0x3a: {  	(tm) =	ssettm $0x7FFFFFFF  }
0x3b: {  	_ =	shalt  }
tec
execute0_lowered:
.L_overlay_start_1:
0x0: {  	(tag) =	ssettag $0x1  }
0x1: {  	s0 =	srdreg.scid  }
0x2: {  	s1 =	sshll.u32 s0, $0x4  }
0x3: {  	s0 =	stileid.u32;
	s1 =	sand.u32 $0x10, s1  }
0x4: {  	s7 =	rddreg [dreg:$0x0];
	s1 =	sor.u32 s0, s1  }
0x5: {  	s4 =	simm.s32 $0x1;
	s8 =	simm.s32 $0x2;
	s2 =	sshll.u32 s1, $0x7  }
0x6: {  	s13 =	simm.s32 $0x0;
	s9 =	simm.s32 $0x20000;
	s1 =	ssub.s32 $0x4000, s2  }
0x7: {  	s14 =	simm.s32 $0x0;
	s11 =	simm.s32 $0x0;
	s3 =	sand.u32 $0xF80, s1  }
0x8: {  	s12 =	simm.s32 $0x0;
	s5 =	sshrl.u32 s1, $0xC;
	p0 =	sne.s32 s3, $0x0  }
.Ltmp0:
0x9: {  	s1 =	rddreg [dreg:$0x2];
	s4 =	simm.s32 @!p0 $0x0;
	(pc) =	sbr.rel .LBB1_1-.Ltmp0, $4  }
0xa: {  	s6 =	sadd.s32 $0x800, s7;
	s3 =	rddreg [dreg:$0x1];
	s5 =	sadd.s32 s4, s5  }
0xb: {  	_ =	strace $0x8000004A;
	s4 =	simm.s32 $0x1;
	s5 =	smul.u32 $0xD, s5  }
0xc: {  	s7 =	sadd.s32 $0x40800, s7;
	s10 =	smov.u32 s2;
	[sflag:s4] =	ssyncpa.u1 $0x0  }
0xd: {  	p0 =	por $0x0, $0x0;
	[sflag:s8] =	ssyncpa.u1 $0x0;
	s8 =	sadd.s32 $0x1, s5  }
.LBB1_7:
0xe: {  	s15 =	sadd.s32 $0x1000, s10  }
0xf: {  	s13 =	sadd.s32 $0x2, s11;
	s17 =	smov.u32 s11;
	p2 =	sgt.s32 s15, $0x3FFF  }
0x10: {  	s17 =	smov.u32 @p2 s13  }
0x11: {  	s15 =	smov.u32 @p2 s2;
	p2 =	sgt.s32 s17, $0x19  }
0x12: {  	s17 =	simm.s32 @p2 $0x0;
	p2 =	sne.s32 s12, s8  }
.Ltmp1:
0x13: {  	p1 =	slt.u32 s12, $0x2;
	(pc) =	sbr.rel @!p2 .LBB1_8-.Ltmp1, $4  }
0x14: {  	s16 =	simm.s32 @!p1 $0x2  }
0x15: {  	s14 =	smov.u32 s11;
	p0 =	por !p0, !p0;
	_ =	swait.ge @!p1 [sflag:s16], $0x2000  }
0x16: {  	s13 =	smov.u32 s10;
	[sflag:s16] =	ssyncset.done @!p1 $0x0;
	s10 =	smov.u32 s15  }
0x17: {  	s12 =	sadd.s32 $0x1, s12;
	[sflag:s16] =	ssyncadd.s32 @!p1 $0xFFFFE000;
	s11 =	smov.u32 s17  }
.LBB1_1:
0x18: {  	p1 =	sge.u32 s12, s5  }
0x19: {  	s15 =	sxor.u32 @!p1 $0xFFFFFFFF, s12;
	s16 =	sshll.u32 @!p1 s11, $0x12  }
0x1a: {  	s17 =	sshll.u32 @!p1 s10, $0x4;
	s19 =	simm.s32 @!p1 $0x20;
	s20 =	simm.s32 @!p1 $0x80  }
0x1b: {  	s15 =	sshll.u32 @!p1 s15, $0xD;
	s17 =	sand.u32 @!p1 $0x3FFF0, s17;
	s18 =	sadd.s32 @!p1 s6, s16  }
0x1c: {  	s16 =	sadd.s32 @!p1 s16, s7;
	s15 =	sand.u32 @!p1 $0x2000, s15;
	s18 =	sadd.s32 @!p1 s17, s18  }
0x1d: {  	[tilespmem:s15], [sflag:$0x1] =	stream.strided.gather @!p1 [hbm4b:s18+s19], $0x1000, s20, s19, $0x38;
	[tilespmem:$0x8080] =	vst v63  }
0x1e: {  	s31 =	sadd.s32 $0xFFFFFFFF, s12;
	s16 =	sadd.s32 @!p1 s17, s16;
	s15 =	sor.u32 @!p1 $0x1000, s15  }
0x1f: {  	[tilespmem:s15], [sflag:$0x1] =	stream.strided.gather @!p1 [hbm4b:s16+s19], $0x1000, s20, s19, $0x38;
	[tilespmem:$0x8080] =	vst v63  }
0x20: {  	p1 =	sge.u32 s31, s5  }
.Ltmp2:
0x21: {  	_ = 	snop;
	(pc) =	sbr.rel @p1 .LBB1_7-.Ltmp2, $1  }
0x22: {  	_ =	sdelay $0x3  }
0x23: {  	s15 =	simm.s32 $0x1;
	s17 =	sand.u32 $0x1, s12  }
0x24: {  	_ =	swait.ge [sflag:s4], $0x2000;
	s15 =	simm.s32 @!p0 $0x0;
	s17 =	smul.u32 $0x8100, s17  }
0x25: {  	p2 =	por $0x1, $0x1;
	[sflag:s4] =	ssyncset.done $0x0;
	s16 =	smul.u32 $0x8100, s15  }
0x26: {  	s18 =	sshll.u32 s15, $0xF;
	[sflag:s4] =	ssyncadd.s32 $0xFFFFE000;
	s30 =	sshrl.u32 s17, $0x2  }
0x27: {  	s31 =	sshrl.u32 s18, $0x2;
	s18 =	simm.s32 $0x0;
	s16 =	sshrl.u32 s16, $0x2  }
0x28: {  	s15 =	sor.u32 $0x4000, s30;
	s17 =	sadd.s32 $0x10, s31;
	s16 =	sor.u32 $0x4000, s16  }
.LBB1_3:
0x29: {  	s19 =	sshll.u32 s18, $0xC  }
0x2a: {  	s19 =	sand.u32 $0x3FFFF000, s19  }
0x2b: {  	s20 =	sadd.s32 s19, s17  }
0x2c: {  	s31 =	smul.u32 $0x4080, s18;
	v1 =	vld [tilespmem:s20+$0x0]  }
0x2d: {  	v0 =	vld [tilespmem:s20+$0xFFFFFFF0]  }
0x2e: {  	s18 =	sshra.s32 s31, $0x2  }
0x2f: {  	s18 =	sadd.s32 s18, s16  }
0x30: {  	s21 =	sadd.s32 $0x0, s18  }
0x31: {  	p1 =	por p2, p2;
	s19 =	simm.s32 $0x4;
	s20 =	sadd.s32 $0x20, s20;
	[tilespmem:s21+$0x810 ss:$0x81] =	vst.msk $0xffff, v1  }
.LBB1_4:
0x32: {  	v1 =	vld [tilespmem:s20+$0x0];
	p2 =	sne.s32 s19, $0x1FC;
	[tilespmem:s21+$0x0 ss:$0x81] =	vst.msk $0xffff, v0;
	s21 =	smov.u32 s19;
	s19 =	sadd.s32 $0x4, s19  }
.Ltmp3:
0x33: {  	v0 =	vld [tilespmem:s20+$0xFFFFFFF0];
	(pc) =	sbr.rel @p2 .LBB1_4-.Ltmp3, $4  }
0x34: {  	_ = 	snop  }
0x35: {  	s21 =	sshra.s32 s21, $0x2  }
0x36: {  	s21 =	sadd.s32 s21, s18  }
0x37: {  	s20 =	sadd.s32 $0x20, s20;
	[tilespmem:s21+$0x810 ss:$0x81] =	vst.msk $0xffff, v1  }
.Ltmp4:
0x38: {  	(pc) =	sbr.rel @p1 .LBB1_3-.Ltmp4, $2  }
0x39: {  	_ =	sdelay $0x2  }
0x3a: {  	[tilespmem:s21+$0x0 ss:$0x81] =	vst.msk $0xffff, v0;
	s18 =	simm.s32 $0x1;
	p2 =	por $0x0, $0x0  }
0x3b: {  	s16 =	sshll.u32 s13, $0x3;
	s17 =	sand.u32 $0x78, s13;
	s14 =	sshll.u32 s14, $0x10  }
.Ltmp5:
0x3c: {  	s30 =	sand.u32 $0xF800, s13;
	s16 =	sand.u32 $0x3C00, s16;
	(pc) =	sbr.rel .LBB1_7-.Ltmp5, $4  }
0x3d: {  	s31 =	sand.u32 $0x7, s13;
	s14 =	sadd.s32 s3, s14;
	s16 =	sor.u32 s17, s16  }
0x3e: {  	s13 =	sshll.u32 s31, $0x12;
	s14 =	sadd.s32 s30, s14;
	s16 =	sshrl.u32 s16, $0x3  }
0x3f: {  	s13 =	sor.u32 $0x400, s13;
	s14 =	sadd.s32 s16, s14  }
0x40: {  	[hbm4b:s14+s13] =	stream.strided.scatter [tilespmem:s15], [sflag:$0x2], $0x2000, s9, s13, $0x20;
	[tilespmem:$0x8080] =	vst v63  }
.LBB1_8:
0x41: {  	_ =	sfence.sel $0x180000  }
0x42: {  	s2 =	simm.s32 $0x1;
	[bflag:$0x0] =	sbarrier.arrive $0xFFFF  }
0x43: {  	s31 =	simm.s32 $0x2;
	[sflag:s2] =	ssyncpa.u1 $0x1  }
0x44: {  	[sflag:s31] =	ssyncpa.u1 $0x1  }
0x45: {  	p0 =	sne.s32 s0, $0x0;
	_ =	strace $0x9000004A  }
0x46: {  	s0 =	sadd.s32 @!p0 $0x100000, s1;
	[bflag:$0x2] =	sbarrier.arrive $0xFFFF  }
0x47: {  	[sflag:s0] =	ssyncadd.tile.s32 @!p0 $0x1;
	_ =	shalt  }
.Lfunc_end1:
_tile_overlayer_lowered:
.L_overlay_start_2:
0x48: {  	(tag) =	ssettag $0x2  }
0x49: {  	s0 =	rddreg [dreg:$0x0];
	s2 =	stileid.u32  }
0x4a: {  	s1 =	rddreg [dreg:$0x1];
	p0 =	sne.s32 s2, $0x0  }
0x4b: {  	s3 =	rddreg [dreg:$0x2];
	[bflag:$0x3] =	sbarrier.arrive $0xFFFF;
	s2 =	simm.s32 @!p0 $0x1C01  }
0x4c: {  	[timem:s3], [sflag:s2] =	dma.local @!p0 [hbm:s0], s1  }
0x4d: {  	s0 =	simm.s32 @!p0 $0x1  }
0x4e: {  	_ =	swait.ge @!p0 [sflag:s0], s1  }
0x4f: {  	s1 =	ssub.s32 @!p0 $0x0, s1;
	[sflag:s0] =	ssyncset.done @!p0 $0x0  }
0x50: {  	[sflag:s0] =	ssyncadd.s32 @!p0 s1  }
0x51: {  	[bflag:$0x3] =	sbarrier.arrive $0xFFFF  }
0x52: {  	_ =	shalt  }

</sc_bundles>
